<compile_context>
chip_gen: v7x
topology: tpu7x:2x2x1
jax: 0.10.2.dev20260603
libtpu: 0.0.44.dev20260713+nightly
codegen_flags: <defaults>
</compile_context>

<pallas_src>
import functools

import jax
import jax.numpy as jnp
from jax import lax
from jax.experimental import pallas as pl
from jax.experimental.pallas import tpu as pltpu
from jax.experimental.pallas import tpu_sc as plsc

D = 128
C = 128
NBUF = 5
PRE = 3


@functools.partial(jax.jit, static_argnames=("s", "nc", "ns"))
def _gather_sc(ids_blk, table, s, nc, ns):
    nw, n_chunks, _ = ids_blk.shape
    bw = n_chunks * C // s
    hc = bw // C
    mesh = plsc.VectorSubcoreMesh(core_axis_name="c", subcore_axis_name="s")

    @functools.partial(
        pl.kernel,
        mesh=mesh,
        out_type=jax.ShapeDtypeStruct((s, nw * bw, D), jnp.float32),
        scratch_types=(
            [pltpu.VMEM((n_chunks, C), jnp.int32),
             pltpu.VMEM((NBUF, C, D), jnp.float32)]
            + [pltpu.SemaphoreType.DMA] * (2 * NBUF)
        ),
    )
    def k(ids_hbm, table_hbm, out_hbm, idx_v, rows_v, *sems):
        gsems, ssems = sems[:NBUF], sems[NBUF:]
        wid = lax.axis_index("s") * nc + lax.axis_index("c")
        base = wid * bw
        pltpu.sync_copy(ids_hbm.at[wid], idx_v)

        def start_gather(j, b):
            pltpu.async_copy(table_hbm.at[idx_v.at[j]], rows_v.at[b], gsems[b])

        def wait_gather(b):
            pltpu.make_async_copy(
                table_hbm.at[idx_v.at[0]], rows_v.at[b], gsems[b]).wait()

        def start_store(j, b):
            pltpu.async_copy(
                rows_v.at[b],
                out_hbm.at[j // hc, pl.ds(base + (j % hc) * C, C)], ssems[b])

        def wait_store(b):
            pltpu.make_async_copy(
                rows_v.at[b], out_hbm.at[0, pl.ds(base, C)], ssems[b]).wait()

        for j in range(PRE):
            start_gather(j, j % NBUF)

        def outer(i, carry):
            g = i * NBUF
            for b in range(NBUF):
                j = g + b
                wait_gather(b)
                start_store(j, b)
                jn = j + PRE
                bn = (b + PRE) % NBUF

                @pl.when(jn < n_chunks)
                def _():
                    @pl.when(jn >= NBUF)
                    def _():
                        wait_store(bn)
                    start_gather(jn, bn)

            return carry

        lax.fori_loop(0, n_chunks // NBUF, outer, 0)
        for b in range(NBUF):
            wait_store(b)

    return k(ids_blk, table)


def kernel(input_ids, table):
    b0, s = input_ids.shape
    info = plsc.get_sparse_core_info()
    nc, ns = info.num_cores, info.num_subcores
    nw = nc * ns
    bw = b0 // nw
    ids_blk = (input_ids.astype(jnp.int32)
               .T.reshape(s, nw, bw).transpose(1, 0, 2)
               .reshape(nw, s * bw // C, C))
    out_t = _gather_sc(ids_blk, table, s, nc, ns)
    return jnp.transpose(out_t, (1, 0, 2))

# --- scband reference (transcript-rebuilt; emitter-appended) ---
"""Pipeline reference for scband-token-embedding-62079457296507 (READ-ONLY COPY).

The authoritative reference and input builder live on the scoring server;
editing this copy changes nothing except your own understanding.
"""

import jax, jax.numpy as jnp
import numpy as np

VOCAB = 100000
EMBED_DIM = 128
PAD_IDX = 0

def setup_inputs(seed: int = 0) -> dict:
    key = jax.random.key(seed)
    k1, k2 = jax.random.split(key)
    table = jax.random.normal(k1, (VOCAB, EMBED_DIM), dtype=jnp.float32) * 0.05
    table = table.at[PAD_IDX].set(0.0)
    input_ids = jax.random.randint(k2, (4096, 50), 0, VOCAB)
    return {"input_ids": input_ids, "table": table}

def reference(input_ids, table):
    # nn.Embedding forward: gather rows of the table by index
    return jnp.take(table, input_ids, axis=0)

if __name__ == "__main__":
    import jax
    _d = setup_inputs()
    print(jax.jit(kernel)(*tuple(_d.values())))

</pallas_src>

<mosaic_0001>
#map = affine_map<(d0, d1) -> (0, 0, 0)>
#map1 = affine_map<(d0, d1) -> (0, 0)>
module attributes {stable_mosaic.version = 14 : i64} {
  func.func @k(%arg0: i32, %arg1: i32, %arg2: memref<32x50x128xi32, #tpu.memory_space<hbm>>, %arg3: memref<100000x128xf32, #tpu.memory_space<hbm>>, %arg4: memref<50x4096x128xf32, #tpu.memory_space<hbm>>, %arg5: memref<50x128xi32, #tpu.memory_space<vmem>>, %arg6: memref<5x128x128xf32, #tpu.memory_space<vmem>>, %arg7: memref<!tpu.dma_semaphore, #tpu.memory_space<semaphore_mem>>, %arg8: memref<!tpu.dma_semaphore, #tpu.memory_space<semaphore_mem>>, %arg9: memref<!tpu.dma_semaphore, #tpu.memory_space<semaphore_mem>>, %arg10: memref<!tpu.dma_semaphore, #tpu.memory_space<semaphore_mem>>, %arg11: memref<!tpu.dma_semaphore, #tpu.memory_space<semaphore_mem>>, %arg12: memref<!tpu.dma_semaphore, #tpu.memory_space<semaphore_mem>>, %arg13: memref<!tpu.dma_semaphore, #tpu.memory_space<semaphore_mem>>, %arg14: memref<!tpu.dma_semaphore, #tpu.memory_space<semaphore_mem>>, %arg15: memref<!tpu.dma_semaphore, #tpu.memory_space<semaphore_mem>>, %arg16: memref<!tpu.dma_semaphore, #tpu.memory_space<semaphore_mem>>) attributes {dimension_semantics = [#tpu.dimension_semantics<core_parallel>, #tpu.dimension_semantics<subcore_parallel>], iteration_bounds = array<i64: 2, 16>, scalar_prefetch = 0 : i64, scratch_operands = 12 : i64, tpu.core_type = #tpu.core_type<sc_vector_subcore>, window_params = [{transform_indices = #map}, {transform_indices = #map1}, {transform_indices = #map}]} {
    %mul3A = arith.constant 2 : i32
    %mul3A_0 = arith.muli %arg1, %mul3A : i32
    %add3A = arith.addi %mul3A_0, %arg0 : i32
    %mul3A_1 = arith.constant 128 : i32
    %mul3A_2 = arith.muli %add3A, %mul3A_1 : i32
    "tpu.region"() ({
      %run_scoped3A = tpu.sem_alloc : memref<!tpu.dma_semaphore, #tpu.memory_space<semaphore_mem>>
      %dma_start3A_122 = arith.constant 0 : i32
      %dma_start3A_123 = arith.constant 0 : i32
      %dma_start3A_124 = tpu.memref_slice %arg2[%add3A, %dma_start3A_122, %dma_start3A_123] : memref<32x50x128xi32, #tpu.memory_space<hbm>> -> memref<1x50x128xi32, #tpu.memory_space<hbm>>
      %dma_start3A_125 = tpu.memref_squeeze %dma_start3A_124 : memref<1x50x128xi32, #tpu.memory_space<hbm>> -> memref<50x128xi32, #tpu.memory_space<hbm>>
      %dma_start3A_126 = arith.constant 0 : i32
      %dma_start3A_127 = arith.constant 0 : i32
      %dma_start3A_128 = tpu.memref_slice %arg2[%add3A, %dma_start3A_126, %dma_start3A_127] : memref<32x50x128xi32, #tpu.memory_space<hbm>> -> memref<1x50x128xi32, #tpu.memory_space<hbm>>
      %dma_start3A_129 = tpu.memref_squeeze %dma_start3A_128 : memref<1x50x128xi32, #tpu.memory_space<hbm>> -> memref<50x128xi32, #tpu.memory_space<hbm>>
      tpu.enqueue_dma source(%dma_start3A_129 : memref<50x128xi32, #tpu.memory_space<hbm>>) target(%arg5 : memref<50x128xi32, #tpu.memory_space<vmem>>) target_semaphore(%run_scoped3A : memref<!tpu.dma_semaphore, #tpu.memory_space<semaphore_mem>>)
      %dma_wait3A_130 = arith.constant 0 : i32
      %dma_wait3A_131 = arith.constant 0 : i32
      %dma_wait3A_132 = tpu.memref_slice %arg2[%add3A, %dma_wait3A_130, %dma_wait3A_131] : memref<32x50x128xi32, #tpu.memory_space<hbm>> -> memref<1x50x128xi32, #tpu.memory_space<hbm>>
      %dma_wait3A_133 = tpu.memref_squeeze %dma_wait3A_132 : memref<1x50x128xi32, #tpu.memory_space<hbm>> -> memref<50x128xi32, #tpu.memory_space<hbm>>
      %dma_wait3A_134 = arith.constant 0 : i32
      %dma_wait3A_135 = arith.constant 0 : i32
      %dma_wait3A_136 = tpu.memref_slice %arg2[%add3A, %dma_wait3A_134, %dma_wait3A_135] : memref<32x50x128xi32, #tpu.memory_space<hbm>> -> memref<1x50x128xi32, #tpu.memory_space<hbm>>
      %dma_wait3A_137 = tpu.memref_squeeze %dma_wait3A_136 : memref<1x50x128xi32, #tpu.memory_space<hbm>> -> memref<50x128xi32, #tpu.memory_space<hbm>>
      tpu.wait_dma2 semaphore(%run_scoped3A : memref<!tpu.dma_semaphore, #tpu.memory_space<semaphore_mem>>) src(%dma_wait3A_137 : memref<50x128xi32, #tpu.memory_space<hbm>>) dst(%arg5 : memref<50x128xi32, #tpu.memory_space<vmem>>)
      tpu.yield
    }) : () -> ()
    %dma_start3A = arith.constant 0 : i32
    %dma_start3A_3 = arith.constant 0 : i32
    %dma_start3A_4 = arith.constant 0 : i32
    %dma_start3A_5 = arith.constant 0 : i32
    %dma_start3A_6 = tpu.memref_slice %arg6[%dma_start3A_3, %dma_start3A_4, %dma_start3A_5] : memref<5x128x128xf32, #tpu.memory_space<vmem>> -> memref<1x128x128xf32, #tpu.memory_space<vmem>>
    %dma_start3A_7 = tpu.memref_squeeze %dma_start3A_6 : memref<1x128x128xf32, #tpu.memory_space<vmem>> -> memref<128x128xf32, #tpu.memory_space<vmem>>
    %dma_start3A_8 = arith.constant 0 : i32
    %dma_start3A_9 = tpu.memref_slice %arg5[%dma_start3A, %dma_start3A_8] : memref<50x128xi32, #tpu.memory_space<vmem>> -> memref<1x128xi32, #tpu.memory_space<vmem>>
    %dma_start3A_10 = tpu.memref_squeeze %dma_start3A_9 : memref<1x128xi32, #tpu.memory_space<vmem>> -> memref<128xi32, #tpu.memory_space<vmem>>
    %dma_start3A_11 = arith.constant 0 : i32
    %dma_start3A_12 = arith.constant 0 : i32
    %dma_start3A_13 = tpu.memref_slice %arg3[%dma_start3A_11, %dma_start3A_12] : memref<100000x128xf32, #tpu.memory_space<hbm>> -> memref<100000x128xf32, #tpu.memory_space<hbm>>
    tpu.enqueue_indirect_dma source(%dma_start3A_13 : memref<100000x128xf32, #tpu.memory_space<hbm>>) target(%dma_start3A_7 : memref<128x128xf32, #tpu.memory_space<vmem>>) offsets(%dma_start3A_10 : memref<128xi32, #tpu.memory_space<vmem>>) semaphore(%arg7 : memref<!tpu.dma_semaphore, #tpu.memory_space<semaphore_mem>>)
    %dma_start3A_14 = arith.constant 1 : i32
    %dma_start3A_15 = arith.constant 1 : i32
    %dma_start3A_16 = arith.constant 0 : i32
    %dma_start3A_17 = arith.constant 0 : i32
    %dma_start3A_18 = tpu.memref_slice %arg6[%dma_start3A_15, %dma_start3A_16, %dma_start3A_17] : memref<5x128x128xf32, #tpu.memory_space<vmem>> -> memref<1x128x128xf32, #tpu.memory_space<vmem>>
    %dma_start3A_19 = tpu.memref_squeeze %dma_start3A_18 : memref<1x128x128xf32, #tpu.memory_space<vmem>> -> memref<128x128xf32, #tpu.memory_space<vmem>>
    %dma_start3A_20 = arith.constant 0 : i32
    %dma_start3A_21 = tpu.memref_slice %arg5[%dma_start3A_14, %dma_start3A_20] : memref<50x128xi32, #tpu.memory_space<vmem>> -> memref<1x128xi32, #tpu.memory_space<vmem>>
    %dma_start3A_22 = tpu.memref_squeeze %dma_start3A_21 : memref<1x128xi32, #tpu.memory_space<vmem>> -> memref<128xi32, #tpu.memory_space<vmem>>
    %dma_start3A_23 = arith.constant 0 : i32
    %dma_start3A_24 = arith.constant 0 : i32
    %dma_start3A_25 = tpu.memref_slice %arg3[%dma_start3A_23, %dma_start3A_24] : memref<100000x128xf32, #tpu.memory_space<hbm>> -> memref<100000x128xf32, #tpu.memory_space<hbm>>
    tpu.enqueue_indirect_dma source(%dma_start3A_25 : memref<100000x128xf32, #tpu.memory_space<hbm>>) target(%dma_start3A_19 : memref<128x128xf32, #tpu.memory_space<vmem>>) offsets(%dma_start3A_22 : memref<128xi32, #tpu.memory_space<vmem>>) semaphore(%arg8 : memref<!tpu.dma_semaphore, #tpu.memory_space<semaphore_mem>>)
    %dma_start3A_26 = arith.constant 2 : i32
    %dma_start3A_27 = arith.constant 2 : i32
    %dma_start3A_28 = arith.constant 0 : i32
    %dma_start3A_29 = arith.constant 0 : i32
    %dma_start3A_30 = tpu.memref_slice %arg6[%dma_start3A_27, %dma_start3A_28, %dma_start3A_29] : memref<5x128x128xf32, #tpu.memory_space<vmem>> -> memref<1x128x128xf32, #tpu.memory_space<vmem>>
    %dma_start3A_31 = tpu.memref_squeeze %dma_start3A_30 : memref<1x128x128xf32, #tpu.memory_space<vmem>> -> memref<128x128xf32, #tpu.memory_space<vmem>>
    %dma_start3A_32 = arith.constant 0 : i32
    %dma_start3A_33 = tpu.memref_slice %arg5[%dma_start3A_26, %dma_start3A_32] : memref<50x128xi32, #tpu.memory_space<vmem>> -> memref<1x128xi32, #tpu.memory_space<vmem>>
    %dma_start3A_34 = tpu.memref_squeeze %dma_start3A_33 : memref<1x128xi32, #tpu.memory_space<vmem>> -> memref<128xi32, #tpu.memory_space<vmem>>
    %dma_start3A_35 = arith.constant 0 : i32
    %dma_start3A_36 = arith.constant 0 : i32
    %dma_start3A_37 = tpu.memref_slice %arg3[%dma_start3A_35, %dma_start3A_36] : memref<100000x128xf32, #tpu.memory_space<hbm>> -> memref<100000x128xf32, #tpu.memory_space<hbm>>
    tpu.enqueue_indirect_dma source(%dma_start3A_37 : memref<100000x128xf32, #tpu.memory_space<hbm>>) target(%dma_start3A_31 : memref<128x128xf32, #tpu.memory_space<vmem>>) offsets(%dma_start3A_34 : memref<128xi32, #tpu.memory_space<vmem>>) semaphore(%arg9 : memref<!tpu.dma_semaphore, #tpu.memory_space<semaphore_mem>>)
    %scan3A = arith.constant 0 : i32
    %scan3A_38 = arith.constant 0 : i32
    %scan3A_39 = arith.constant 10 : i32
    %scan3A_40 = arith.addi %scan3A_38, %scan3A_39 : i32
    %scan3A_41 = arith.constant 1 : i32
    scf.for %scan3A_122 = %scan3A_38 to %scan3A_40 step %scan3A_41  : i32 {
      %mul3A_123 = arith.constant 5 : i32
      %mul3A_124 = arith.muli %scan3A_122, %mul3A_123 : i32
      %add3A_125 = arith.constant 0 : i32
      %add3A_126 = arith.addi %mul3A_124, %add3A_125 : i32
      %dma_wait3A_127 = arith.constant 0 : i32
      %dma_wait3A_128 = arith.constant 0 : i32
      %dma_wait3A_129 = arith.constant 0 : i32
      %dma_wait3A_130 = arith.constant 0 : i32
      %dma_wait3A_131 = tpu.memref_slice %arg6[%dma_wait3A_128, %dma_wait3A_129, %dma_wait3A_130] : memref<5x128x128xf32, #tpu.memory_space<vmem>> -> memref<1x128x128xf32, #tpu.memory_space<vmem>>
      %dma_wait3A_132 = tpu.memref_squeeze %dma_wait3A_131 : memref<1x128x128xf32, #tpu.memory_space<vmem>> -> memref<128x128xf32, #tpu.memory_space<vmem>>
      %dma_wait3A_133 = arith.constant 0 : i32
      %dma_wait3A_134 = tpu.memref_slice %arg5[%dma_wait3A_127, %dma_wait3A_133] : memref<50x128xi32, #tpu.memory_space<vmem>> -> memref<1x128xi32, #tpu.memory_space<vmem>>
      %dma_wait3A_135 = tpu.memref_squeeze %dma_wait3A_134 : memref<1x128xi32, #tpu.memory_space<vmem>> -> memref<128xi32, #tpu.memory_space<vmem>>
      %dma_wait3A_136 = arith.constant 0 : i32
      %dma_wait3A_137 = arith.constant 0 : i32
      %dma_wait3A_138 = tpu.memref_slice %arg3[%dma_wait3A_136, %dma_wait3A_137] : memref<100000x128xf32, #tpu.memory_space<hbm>> -> memref<100000x128xf32, #tpu.memory_space<hbm>>
      tpu.wait_indirect_dma semaphore(%arg7 : memref<!tpu.dma_semaphore, #tpu.memory_space<semaphore_mem>>) src(%dma_wait3A_138 : memref<100000x128xf32, #tpu.memory_space<hbm>>) dst(%dma_wait3A_132 : memref<128x128xf32, #tpu.memory_space<vmem>>)
      %jit3A = arith.constant 1 : i32
      %div3A = arith.divsi %add3A_126, %jit3A : i32
      %sign3A = arith.constant 0 : i32
      %sign3A_139 = arith.cmpi sgt, %add3A_126, %sign3A : i32
      %sign3A_140 = arith.extui %sign3A_139 : i1 to i32
      %sign3A_141 = arith.constant 0 : i32
      %sign3A_142 = arith.cmpi slt, %add3A_126, %sign3A_141 : i32
      %sign3A_143 = arith.extui %sign3A_142 : i1 to i32
      %sign3A_144 = arith.subi %sign3A_140, %sign3A_143 : i32
      %sign3A_145 = arith.constant 0 : i32
      %sign3A_146 = arith.cmpi sgt, %jit3A, %sign3A_145 : i32
      %sign3A_147 = arith.extui %sign3A_146 : i1 to i32
      %sign3A_148 = arith.constant 0 : i32
      %sign3A_149 = arith.cmpi slt, %jit3A, %sign3A_148 : i32
      %sign3A_150 = arith.extui %sign3A_149 : i1 to i32
      %sign3A_151 = arith.subi %sign3A_147, %sign3A_150 : i32
      %ne3A = arith.cmpi ne, %sign3A_144, %sign3A_151 : i32
      %rem3A = arith.remsi %add3A_126, %jit3A : i32
      %ne3A_152 = arith.constant 0 : i32
      %ne3A_153 = arith.cmpi ne, %rem3A, %ne3A_152 : i32
      %and3A = arith.andi %ne3A, %ne3A_153 : i1
      %sub3A = arith.constant 1 : i32
      %sub3A_154 = arith.subi %div3A, %sub3A : i32
      %select_n3A = arith.select %and3A, %sub3A_154, %div3A : i32
      %jit3A_155 = arith.constant 1 : i32
      %eq3A = arith.constant 0 : i32
      %eq3A_156 = arith.cmpi eq, %jit3A_155, %eq3A : i32
      %jit3A_157 = arith.constant 1 : i32
      %select_n3A_158 = arith.select %eq3A_156, %jit3A_157, %jit3A_155 : i32
      %rem3A_159 = arith.remsi %add3A_126, %select_n3A_158 : i32
      %ne3A_160 = arith.constant 0 : i32
      %ne3A_161 = arith.cmpi ne, %rem3A_159, %ne3A_160 : i32
      %lt3A = arith.constant 0 : i32
      %lt3A_162 = arith.cmpi slt, %rem3A_159, %lt3A : i32
      %lt3A_163 = arith.constant 0 : i32
      %lt3A_164 = arith.cmpi slt, %select_n3A_158, %lt3A_163 : i32
      %ne3A_165 = arith.xori %lt3A_162, %lt3A_164 : i1
      %and3A_166 = arith.andi %ne3A_165, %ne3A_161 : i1
      %add3A_167 = arith.addi %rem3A_159, %select_n3A_158 : i32
      %select_n3A_168 = arith.select %and3A_166, %add3A_167, %rem3A_159 : i32
      %mul3A_169 = arith.constant 128 : i32
      %mul3A_170 = arith.muli %select_n3A_168, %mul3A_169 : i32
      %add3A_171 = arith.addi %mul3A_2, %mul3A_170 : i32
      %dma_start3A_172 = arith.constant 0 : i32
      %dma_start3A_173 = arith.constant 0 : i32
      %dma_start3A_174 = arith.constant 0 : i32
      %dma_start3A_175 = tpu.memref_slice %arg6[%dma_start3A_172, %dma_start3A_173, %dma_start3A_174] : memref<5x128x128xf32, #tpu.memory_space<vmem>> -> memref<1x128x128xf32, #tpu.memory_space<vmem>>
      %dma_start3A_176 = tpu.memref_squeeze %dma_start3A_175 : memref<1x128x128xf32, #tpu.memory_space<vmem>> -> memref<128x128xf32, #tpu.memory_space<vmem>>
      %dma_start3A_177 = arith.constant 0 : i32
      %dma_start3A_178 = tpu.memref_slice %arg4[%select_n3A, %add3A_171, %dma_start3A_177] : memref<50x4096x128xf32, #tpu.memory_space<hbm>> -> memref<1x128x128xf32, #tpu.memory_space<hbm>>
      %dma_start3A_179 = tpu.memref_squeeze %dma_start3A_178 : memref<1x128x128xf32, #tpu.memory_space<hbm>> -> memref<128x128xf32, #tpu.memory_space<hbm>>
      %dma_start3A_180 = arith.constant 0 : i32
      %dma_start3A_181 = tpu.memref_slice %arg4[%select_n3A, %add3A_171, %dma_start3A_180] : memref<50x4096x128xf32, #tpu.memory_space<hbm>> -> memref<1x128x128xf32, #tpu.memory_space<hbm>>
      %dma_start3A_182 = tpu.memref_squeeze %dma_start3A_181 : memref<1x128x128xf32, #tpu.memory_space<hbm>> -> memref<128x128xf32, #tpu.memory_space<hbm>>
      %dma_start3A_183 = arith.constant 0 : i32
      %dma_start3A_184 = arith.constant 0 : i32
      %dma_start3A_185 = tpu.memref_slice %arg6[%dma_start3A_172, %dma_start3A_183, %dma_start3A_184] : memref<5x128x128xf32, #tpu.memory_space<vmem>> -> memref<1x128x128xf32, #tpu.memory_space<vmem>>
      %dma_start3A_186 = tpu.memref_squeeze %dma_start3A_185 : memref<1x128x128xf32, #tpu.memory_space<vmem>> -> memref<128x128xf32, #tpu.memory_space<vmem>>
      tpu.enqueue_dma source(%dma_start3A_186 : memref<128x128xf32, #tpu.memory_space<vmem>>) target(%dma_start3A_182 : memref<128x128xf32, #tpu.memory_space<hbm>>) target_semaphore(%arg12 : memref<!tpu.dma_semaphore, #tpu.memory_space<semaphore_mem>>)
      %add3A_187 = arith.constant 3 : i32
      %add3A_188 = arith.addi %add3A_126, %add3A_187 : i32
      %lt3A_189 = arith.constant 50 : i32
      %lt3A_190 = arith.cmpi slt, %add3A_188, %lt3A_189 : i32
      %convert_element_type3A = arith.extui %lt3A_190 : i1 to i32
      %cond3A = arith.constant 0 : i32
      %cond3A_191 = arith.cmpi ne, %convert_element_type3A, %cond3A : i32
      scf.if %cond3A_191 {
        %ge3A = arith.constant 5 : i32
        %ge3A_508 = arith.cmpi sge, %add3A_188, %ge3A : i32
        %convert_element_type3A_509 = arith.extui %ge3A_508 : i1 to i32
        %cond3A_510 = arith.constant 0 : i32
        %cond3A_511 = arith.cmpi ne, %convert_element_type3A_509, %cond3A_510 : i32
        scf.if %cond3A_511 {
          %dma_wait3A_523 = arith.constant 3 : i32
          %dma_wait3A_524 = arith.constant 0 : i32
          %dma_wait3A_525 = arith.constant 0 : i32
          %dma_wait3A_526 = arith.constant 0 : i32
          %dma_wait3A_527 = tpu.memref_slice %arg6[%dma_wait3A_523, %dma_wait3A_525, %dma_wait3A_526] : memref<5x128x128xf32, #tpu.memory_space<vmem>> -> memref<1x128x128xf32, #tpu.memory_space<vmem>>
          %dma_wait3A_528 = tpu.memref_squeeze %dma_wait3A_527 : memref<1x128x128xf32, #tpu.memory_space<vmem>> -> memref<128x128xf32, #tpu.memory_space<vmem>>
          %dma_wait3A_529 = arith.constant 0 : i32
          %dma_wait3A_530 = tpu.memref_slice %arg4[%dma_wait3A_524, %mul3A_2, %dma_wait3A_529] : memref<50x4096x128xf32, #tpu.memory_space<hbm>> -> memref<1x128x128xf32, #tpu.memory_space<hbm>>
          %dma_wait3A_531 = tpu.memref_squeeze %dma_wait3A_530 : memref<1x128x128xf32, #tpu.memory_space<hbm>> -> memref<128x128xf32, #tpu.memory_space<hbm>>
          %dma_wait3A_532 = arith.constant 0 : i32
          %dma_wait3A_533 = tpu.memref_slice %arg4[%dma_wait3A_524, %mul3A_2, %dma_wait3A_532] : memref<50x4096x128xf32, #tpu.memory_space<hbm>> -> memref<1x128x128xf32, #tpu.memory_space<hbm>>
          %dma_wait3A_534 = tpu.memref_squeeze %dma_wait3A_533 : memref<1x128x128xf32, #tpu.memory_space<hbm>> -> memref<128x128xf32, #tpu.memory_space<hbm>>
          %dma_wait3A_535 = arith.constant 0 : i32
          %dma_wait3A_536 = arith.constant 0 : i32
          %dma_wait3A_537 = tpu.memref_slice %arg6[%dma_wait3A_523, %dma_wait3A_535, %dma_wait3A_536] : memref<5x128x128xf32, #tpu.memory_space<vmem>> -> memref<1x128x128xf32, #tpu.memory_space<vmem>>
          %dma_wait3A_538 = tpu.memref_squeeze %dma_wait3A_537 : memref<1x128x128xf32, #tpu.memory_space<vmem>> -> memref<128x128xf32, #tpu.memory_space<vmem>>
          tpu.wait_dma2 semaphore(%arg15 : memref<!tpu.dma_semaphore, #tpu.memory_space<semaphore_mem>>) src(%dma_wait3A_538 : memref<128x128xf32, #tpu.memory_space<vmem>>) dst(%dma_wait3A_534 : memref<128x128xf32, #tpu.memory_space<hbm>>)
        } else {
        }
        %dma_start3A_512 = arith.constant 3 : i32
        %dma_start3A_513 = arith.constant 0 : i32
        %dma_start3A_514 = arith.constant 0 : i32
        %dma_start3A_515 = tpu.memref_slice %arg6[%dma_start3A_512, %dma_start3A_513, %dma_start3A_514] : memref<5x128x128xf32, #tpu.memory_space<vmem>> -> memref<1x128x128xf32, #tpu.memory_space<vmem>>
        %dma_start3A_516 = tpu.memref_squeeze %dma_start3A_515 : memref<1x128x128xf32, #tpu.memory_space<vmem>> -> memref<128x128xf32, #tpu.memory_space<vmem>>
        %dma_start3A_517 = arith.constant 0 : i32
        %dma_start3A_518 = tpu.memref_slice %arg5[%add3A_188, %dma_start3A_517] : memref<50x128xi32, #tpu.memory_space<vmem>> -> memref<1x128xi32, #tpu.memory_space<vmem>>
        %dma_start3A_519 = tpu.memref_squeeze %dma_start3A_518 : memref<1x128xi32, #tpu.memory_space<vmem>> -> memref<128xi32, #tpu.memory_space<vmem>>
        %dma_start3A_520 = arith.constant 0 : i32
        %dma_start3A_521 = arith.constant 0 : i32
        %dma_start3A_522 = tpu.memref_slice %arg3[%dma_start3A_520, %dma_start3A_521] : memref<100000x128xf32, #tpu.memory_space<hbm>> -> memref<100000x128xf32, #tpu.memory_space<hbm>>
        tpu.enqueue_indirect_dma source(%dma_start3A_522 : memref<100000x128xf32, #tpu.memory_space<hbm>>) target(%dma_start3A_516 : memref<128x128xf32, #tpu.memory_space<vmem>>) offsets(%dma_start3A_519 : memref<128xi32, #tpu.memory_space<vmem>>) semaphore(%arg10 : memref<!tpu.dma_semaphore, #tpu.memory_space<semaphore_mem>>)
      } else {
      }
      %add3A_192 = arith.constant 1 : i32
      %add3A_193 = arith.addi %mul3A_124, %add3A_192 : i32
      %dma_wait3A_194 = arith.constant 0 : i32
      %dma_wait3A_195 = arith.constant 1 : i32
      %dma_wait3A_196 = arith.constant 0 : i32
      %dma_wait3A_197 = arith.constant 0 : i32
      %dma_wait3A_198 = tpu.memref_slice %arg6[%dma_wait3A_195, %dma_wait3A_196, %dma_wait3A_197] : memref<5x128x128xf32, #tpu.memory_space<vmem>> -> memref<1x128x128xf32, #tpu.memory_space<vmem>>
      %dma_wait3A_199 = tpu.memref_squeeze %dma_wait3A_198 : memref<1x128x128xf32, #tpu.memory_space<vmem>> -> memref<128x128xf32, #tpu.memory_space<vmem>>
      %dma_wait3A_200 = arith.constant 0 : i32
      %dma_wait3A_201 = tpu.memref_slice %arg5[%dma_wait3A_194, %dma_wait3A_200] : memref<50x128xi32, #tpu.memory_space<vmem>> -> memref<1x128xi32, #tpu.memory_space<vmem>>
      %dma_wait3A_202 = tpu.memref_squeeze %dma_wait3A_201 : memref<1x128xi32, #tpu.memory_space<vmem>> -> memref<128xi32, #tpu.memory_space<vmem>>
      %dma_wait3A_203 = arith.constant 0 : i32
      %dma_wait3A_204 = arith.constant 0 : i32
      %dma_wait3A_205 = tpu.memref_slice %arg3[%dma_wait3A_203, %dma_wait3A_204] : memref<100000x128xf32, #tpu.memory_space<hbm>> -> memref<100000x128xf32, #tpu.memory_space<hbm>>
      tpu.wait_indirect_dma semaphore(%arg8 : memref<!tpu.dma_semaphore, #tpu.memory_space<semaphore_mem>>) src(%dma_wait3A_205 : memref<100000x128xf32, #tpu.memory_space<hbm>>) dst(%dma_wait3A_199 : memref<128x128xf32, #tpu.memory_space<vmem>>)
      %jit3A_206 = arith.constant 1 : i32
      %div3A_207 = arith.divsi %add3A_193, %jit3A_206 : i32
      %sign3A_208 = arith.constant 0 : i32
      %sign3A_209 = arith.cmpi sgt, %add3A_193, %sign3A_208 : i32
      %sign3A_210 = arith.extui %sign3A_209 : i1 to i32
      %sign3A_211 = arith.constant 0 : i32
      %sign3A_212 = arith.cmpi slt, %add3A_193, %sign3A_211 : i32
      %sign3A_213 = arith.extui %sign3A_212 : i1 to i32
      %sign3A_214 = arith.subi %sign3A_210, %sign3A_213 : i32
      %sign3A_215 = arith.constant 0 : i32
      %sign3A_216 = arith.cmpi sgt, %jit3A_206, %sign3A_215 : i32
      %sign3A_217 = arith.extui %sign3A_216 : i1 to i32
      %sign3A_218 = arith.constant 0 : i32
      %sign3A_219 = arith.cmpi slt, %jit3A_206, %sign3A_218 : i32
      %sign3A_220 = arith.extui %sign3A_219 : i1 to i32
      %sign3A_221 = arith.subi %sign3A_217, %sign3A_220 : i32
      %ne3A_222 = arith.cmpi ne, %sign3A_214, %sign3A_221 : i32
      %rem3A_223 = arith.remsi %add3A_193, %jit3A_206 : i32
      %ne3A_224 = arith.constant 0 : i32
      %ne3A_225 = arith.cmpi ne, %rem3A_223, %ne3A_224 : i32
      %and3A_226 = arith.andi %ne3A_222, %ne3A_225 : i1
      %sub3A_227 = arith.constant 1 : i32
      %sub3A_228 = arith.subi %div3A_207, %sub3A_227 : i32
      %select_n3A_229 = arith.select %and3A_226, %sub3A_228, %div3A_207 : i32
      %jit3A_230 = arith.constant 1 : i32
      %eq3A_231 = arith.constant 0 : i32
      %eq3A_232 = arith.cmpi eq, %jit3A_230, %eq3A_231 : i32
      %jit3A_233 = arith.constant 1 : i32
      %select_n3A_234 = arith.select %eq3A_232, %jit3A_233, %jit3A_230 : i32
      %rem3A_235 = arith.remsi %add3A_193, %select_n3A_234 : i32
      %ne3A_236 = arith.constant 0 : i32
      %ne3A_237 = arith.cmpi ne, %rem3A_235, %ne3A_236 : i32
      %lt3A_238 = arith.constant 0 : i32
      %lt3A_239 = arith.cmpi slt, %rem3A_235, %lt3A_238 : i32
      %lt3A_240 = arith.constant 0 : i32
      %lt3A_241 = arith.cmpi slt, %select_n3A_234, %lt3A_240 : i32
      %ne3A_242 = arith.xori %lt3A_239, %lt3A_241 : i1
      %and3A_243 = arith.andi %ne3A_242, %ne3A_237 : i1
      %add3A_244 = arith.addi %rem3A_235, %select_n3A_234 : i32
      %select_n3A_245 = arith.select %and3A_243, %add3A_244, %rem3A_235 : i32
      %mul3A_246 = arith.constant 128 : i32
      %mul3A_247 = arith.muli %select_n3A_245, %mul3A_246 : i32
      %add3A_248 = arith.addi %mul3A_2, %mul3A_247 : i32
      %dma_start3A_249 = arith.constant 1 : i32
      %dma_start3A_250 = arith.constant 0 : i32
      %dma_start3A_251 = arith.constant 0 : i32
      %dma_start3A_252 = tpu.memref_slice %arg6[%dma_start3A_249, %dma_start3A_250, %dma_start3A_251] : memref<5x128x128xf32, #tpu.memory_space<vmem>> -> memref<1x128x128xf32, #tpu.memory_space<vmem>>
      %dma_start3A_253 = tpu.memref_squeeze %dma_start3A_252 : memref<1x128x128xf32, #tpu.memory_space<vmem>> -> memref<128x128xf32, #tpu.memory_space<vmem>>
      %dma_start3A_254 = arith.constant 0 : i32
      %dma_start3A_255 = tpu.memref_slice %arg4[%select_n3A_229, %add3A_248, %dma_start3A_254] : memref<50x4096x128xf32, #tpu.memory_space<hbm>> -> memref<1x128x128xf32, #tpu.memory_space<hbm>>
      %dma_start3A_256 = tpu.memref_squeeze %dma_start3A_255 : memref<1x128x128xf32, #tpu.memory_space<hbm>> -> memref<128x128xf32, #tpu.memory_space<hbm>>
      %dma_start3A_257 = arith.constant 0 : i32
      %dma_start3A_258 = tpu.memref_slice %arg4[%select_n3A_229, %add3A_248, %dma_start3A_257] : memref<50x4096x128xf32, #tpu.memory_space<hbm>> -> memref<1x128x128xf32, #tpu.memory_space<hbm>>
      %dma_start3A_259 = tpu.memref_squeeze %dma_start3A_258 : memref<1x128x128xf32, #tpu.memory_space<hbm>> -> memref<128x128xf32, #tpu.memory_space<hbm>>
      %dma_start3A_260 = arith.constant 0 : i32
      %dma_start3A_261 = arith.constant 0 : i32
      %dma_start3A_262 = tpu.memref_slice %arg6[%dma_start3A_249, %dma_start3A_260, %dma_start3A_261] : memref<5x128x128xf32, #tpu.memory_space<vmem>> -> memref<1x128x128xf32, #tpu.memory_space<vmem>>
      %dma_start3A_263 = tpu.memref_squeeze %dma_start3A_262 : memref<1x128x128xf32, #tpu.memory_space<vmem>> -> memref<128x128xf32, #tpu.memory_space<vmem>>
      tpu.enqueue_dma source(%dma_start3A_263 : memref<128x128xf32, #tpu.memory_space<vmem>>) target(%dma_start3A_259 : memref<128x128xf32, #tpu.memory_space<hbm>>) target_semaphore(%arg13 : memref<!tpu.dma_semaphore, #tpu.memory_space<semaphore_mem>>)
      %add3A_264 = arith.constant 3 : i32
      %add3A_265 = arith.addi %add3A_193, %add3A_264 : i32
      %lt3A_266 = arith.constant 50 : i32
      %lt3A_267 = arith.cmpi slt, %add3A_265, %lt3A_266 : i32
      %convert_element_type3A_268 = arith.extui %lt3A_267 : i1 to i32
      %cond3A_269 = arith.constant 0 : i32
      %cond3A_270 = arith.cmpi ne, %convert_element_type3A_268, %cond3A_269 : i32
      scf.if %cond3A_270 {
        %ge3A = arith.constant 5 : i32
        %ge3A_508 = arith.cmpi sge, %add3A_265, %ge3A : i32
        %convert_element_type3A_509 = arith.extui %ge3A_508 : i1 to i32
        %cond3A_510 = arith.constant 0 : i32
        %cond3A_511 = arith.cmpi ne, %convert_element_type3A_509, %cond3A_510 : i32
        scf.if %cond3A_511 {
          %dma_wait3A_523 = arith.constant 4 : i32
          %dma_wait3A_524 = arith.constant 0 : i32
          %dma_wait3A_525 = arith.constant 0 : i32
          %dma_wait3A_526 = arith.constant 0 : i32
          %dma_wait3A_527 = tpu.memref_slice %arg6[%dma_wait3A_523, %dma_wait3A_525, %dma_wait3A_526] : memref<5x128x128xf32, #tpu.memory_space<vmem>> -> memref<1x128x128xf32, #tpu.memory_space<vmem>>
          %dma_wait3A_528 = tpu.memref_squeeze %dma_wait3A_527 : memref<1x128x128xf32, #tpu.memory_space<vmem>> -> memref<128x128xf32, #tpu.memory_space<vmem>>
          %dma_wait3A_529 = arith.constant 0 : i32
          %dma_wait3A_530 = tpu.memref_slice %arg4[%dma_wait3A_524, %mul3A_2, %dma_wait3A_529] : memref<50x4096x128xf32, #tpu.memory_space<hbm>> -> memref<1x128x128xf32, #tpu.memory_space<hbm>>
          %dma_wait3A_531 = tpu.memref_squeeze %dma_wait3A_530 : memref<1x128x128xf32, #tpu.memory_space<hbm>> -> memref<128x128xf32, #tpu.memory_space<hbm>>
          %dma_wait3A_532 = arith.constant 0 : i32
          %dma_wait3A_533 = tpu.memref_slice %arg4[%dma_wait3A_524, %mul3A_2, %dma_wait3A_532] : memref<50x4096x128xf32, #tpu.memory_space<hbm>> -> memref<1x128x128xf32, #tpu.memory_space<hbm>>
          %dma_wait3A_534 = tpu.memref_squeeze %dma_wait3A_533 : memref<1x128x128xf32, #tpu.memory_space<hbm>> -> memref<128x128xf32, #tpu.memory_space<hbm>>
          %dma_wait3A_535 = arith.constant 0 : i32
          %dma_wait3A_536 = arith.constant 0 : i32
          %dma_wait3A_537 = tpu.memref_slice %arg6[%dma_wait3A_523, %dma_wait3A_535, %dma_wait3A_536] : memref<5x128x128xf32, #tpu.memory_space<vmem>> -> memref<1x128x128xf32, #tpu.memory_space<vmem>>
          %dma_wait3A_538 = tpu.memref_squeeze %dma_wait3A_537 : memref<1x128x128xf32, #tpu.memory_space<vmem>> -> memref<128x128xf32, #tpu.memory_space<vmem>>
          tpu.wait_dma2 semaphore(%arg16 : memref<!tpu.dma_semaphore, #tpu.memory_space<semaphore_mem>>) src(%dma_wait3A_538 : memref<128x128xf32, #tpu.memory_space<vmem>>) dst(%dma_wait3A_534 : memref<128x128xf32, #tpu.memory_space<hbm>>)
        } else {
        }
        %dma_start3A_512 = arith.constant 4 : i32
        %dma_start3A_513 = arith.constant 0 : i32
        %dma_start3A_514 = arith.constant 0 : i32
        %dma_start3A_515 = tpu.memref_slice %arg6[%dma_start3A_512, %dma_start3A_513, %dma_start3A_514] : memref<5x128x128xf32, #tpu.memory_space<vmem>> -> memref<1x128x128xf32, #tpu.memory_space<vmem>>
        %dma_start3A_516 = tpu.memref_squeeze %dma_start3A_515 : memref<1x128x128xf32, #tpu.memory_space<vmem>> -> memref<128x128xf32, #tpu.memory_space<vmem>>
        %dma_start3A_517 = arith.constant 0 : i32
        %dma_start3A_518 = tpu.memref_slice %arg5[%add3A_265, %dma_start3A_517] : memref<50x128xi32, #tpu.memory_space<vmem>> -> memref<1x128xi32, #tpu.memory_space<vmem>>
        %dma_start3A_519 = tpu.memref_squeeze %dma_start3A_518 : memref<1x128xi32, #tpu.memory_space<vmem>> -> memref<128xi32, #tpu.memory_space<vmem>>
        %dma_start3A_520 = arith.constant 0 : i32
        %dma_start3A_521 = arith.constant 0 : i32
        %dma_start3A_522 = tpu.memref_slice %arg3[%dma_start3A_520, %dma_start3A_521] : memref<100000x128xf32, #tpu.memory_space<hbm>> -> memref<100000x128xf32, #tpu.memory_space<hbm>>
        tpu.enqueue_indirect_dma source(%dma_start3A_522 : memref<100000x128xf32, #tpu.memory_space<hbm>>) target(%dma_start3A_516 : memref<128x128xf32, #tpu.memory_space<vmem>>) offsets(%dma_start3A_519 : memref<128xi32, #tpu.memory_space<vmem>>) semaphore(%arg11 : memref<!tpu.dma_semaphore, #tpu.memory_space<semaphore_mem>>)
      } else {
      }
      %add3A_271 = arith.constant 2 : i32
      %add3A_272 = arith.addi %mul3A_124, %add3A_271 : i32
      %dma_wait3A_273 = arith.constant 0 : i32
      %dma_wait3A_274 = arith.constant 2 : i32
      %dma_wait3A_275 = arith.constant 0 : i32
      %dma_wait3A_276 = arith.constant 0 : i32
      %dma_wait3A_277 = tpu.memref_slice %arg6[%dma_wait3A_274, %dma_wait3A_275, %dma_wait3A_276] : memref<5x128x128xf32, #tpu.memory_space<vmem>> -> memref<1x128x128xf32, #tpu.memory_space<vmem>>
      %dma_wait3A_278 = tpu.memref_squeeze %dma_wait3A_277 : memref<1x128x128xf32, #tpu.memory_space<vmem>> -> memref<128x128xf32, #tpu.memory_space<vmem>>
      %dma_wait3A_279 = arith.constant 0 : i32
      %dma_wait3A_280 = tpu.memref_slice %arg5[%dma_wait3A_273, %dma_wait3A_279] : memref<50x128xi32, #tpu.memory_space<vmem>> -> memref<1x128xi32, #tpu.memory_space<vmem>>
      %dma_wait3A_281 = tpu.memref_squeeze %dma_wait3A_280 : memref<1x128xi32, #tpu.memory_space<vmem>> -> memref<128xi32, #tpu.memory_space<vmem>>
      %dma_wait3A_282 = arith.constant 0 : i32
      %dma_wait3A_283 = arith.constant 0 : i32
      %dma_wait3A_284 = tpu.memref_slice %arg3[%dma_wait3A_282, %dma_wait3A_283] : memref<100000x128xf32, #tpu.memory_space<hbm>> -> memref<100000x128xf32, #tpu.memory_space<hbm>>
      tpu.wait_indirect_dma semaphore(%arg9 : memref<!tpu.dma_semaphore, #tpu.memory_space<semaphore_mem>>) src(%dma_wait3A_284 : memref<100000x128xf32, #tpu.memory_space<hbm>>) dst(%dma_wait3A_278 : memref<128x128xf32, #tpu.memory_space<vmem>>)
      %jit3A_285 = arith.constant 1 : i32
      %div3A_286 = arith.divsi %add3A_272, %jit3A_285 : i32
      %sign3A_287 = arith.constant 0 : i32
      %sign3A_288 = arith.cmpi sgt, %add3A_272, %sign3A_287 : i32
      %sign3A_289 = arith.extui %sign3A_288 : i1 to i32
      %sign3A_290 = arith.constant 0 : i32
      %sign3A_291 = arith.cmpi slt, %add3A_272, %sign3A_290 : i32
      %sign3A_292 = arith.extui %sign3A_291 : i1 to i32
      %sign3A_293 = arith.subi %sign3A_289, %sign3A_292 : i32
      %sign3A_294 = arith.constant 0 : i32
      %sign3A_295 = arith.cmpi sgt, %jit3A_285, %sign3A_294 : i32
      %sign3A_296 = arith.extui %sign3A_295 : i1 to i32
      %sign3A_297 = arith.constant 0 : i32
      %sign3A_298 = arith.cmpi slt, %jit3A_285, %sign3A_297 : i32
      %sign3A_299 = arith.extui %sign3A_298 : i1 to i32
      %sign3A_300 = arith.subi %sign3A_296, %sign3A_299 : i32
      %ne3A_301 = arith.cmpi ne, %sign3A_293, %sign3A_300 : i32
      %rem3A_302 = arith.remsi %add3A_272, %jit3A_285 : i32
      %ne3A_303 = arith.constant 0 : i32
      %ne3A_304 = arith.cmpi ne, %rem3A_302, %ne3A_303 : i32
      %and3A_305 = arith.andi %ne3A_301, %ne3A_304 : i1
      %sub3A_306 = arith.constant 1 : i32
      %sub3A_307 = arith.subi %div3A_286, %sub3A_306 : i32
      %select_n3A_308 = arith.select %and3A_305, %sub3A_307, %div3A_286 : i32
      %jit3A_309 = arith.constant 1 : i32
      %eq3A_310 = arith.constant 0 : i32
      %eq3A_311 = arith.cmpi eq, %jit3A_309, %eq3A_310 : i32
      %jit3A_312 = arith.constant 1 : i32
      %select_n3A_313 = arith.select %eq3A_311, %jit3A_312, %jit3A_309 : i32
      %rem3A_314 = arith.remsi %add3A_272, %select_n3A_313 : i32
      %ne3A_315 = arith.constant 0 : i32
      %ne3A_316 = arith.cmpi ne, %rem3A_314, %ne3A_315 : i32
      %lt3A_317 = arith.constant 0 : i32
      %lt3A_318 = arith.cmpi slt, %rem3A_314, %lt3A_317 : i32
      %lt3A_319 = arith.constant 0 : i32
      %lt3A_320 = arith.cmpi slt, %select_n3A_313, %lt3A_319 : i32
      %ne3A_321 = arith.xori %lt3A_318, %lt3A_320 : i1
      %and3A_322 = arith.andi %ne3A_321, %ne3A_316 : i1
      %add3A_323 = arith.addi %rem3A_314, %select_n3A_313 : i32
      %select_n3A_324 = arith.select %and3A_322, %add3A_323, %rem3A_314 : i32
      %mul3A_325 = arith.constant 128 : i32
      %mul3A_326 = arith.muli %select_n3A_324, %mul3A_325 : i32
      %add3A_327 = arith.addi %mul3A_2, %mul3A_326 : i32
      %dma_start3A_328 = arith.constant 2 : i32
      %dma_start3A_329 = arith.constant 0 : i32
      %dma_start3A_330 = arith.constant 0 : i32
      %dma_start3A_331 = tpu.memref_slice %arg6[%dma_start3A_328, %dma_start3A_329, %dma_start3A_330] : memref<5x128x128xf32, #tpu.memory_space<vmem>> -> memref<1x128x128xf32, #tpu.memory_space<vmem>>
      %dma_start3A_332 = tpu.memref_squeeze %dma_start3A_331 : memref<1x128x128xf32, #tpu.memory_space<vmem>> -> memref<128x128xf32, #tpu.memory_space<vmem>>
      %dma_start3A_333 = arith.constant 0 : i32
      %dma_start3A_334 = tpu.memref_slice %arg4[%select_n3A_308, %add3A_327, %dma_start3A_333] : memref<50x4096x128xf32, #tpu.memory_space<hbm>> -> memref<1x128x128xf32, #tpu.memory_space<hbm>>
      %dma_start3A_335 = tpu.memref_squeeze %dma_start3A_334 : memref<1x128x128xf32, #tpu.memory_space<hbm>> -> memref<128x128xf32, #tpu.memory_space<hbm>>
      %dma_start3A_336 = arith.constant 0 : i32
      %dma_start3A_337 = tpu.memref_slice %arg4[%select_n3A_308, %add3A_327, %dma_start3A_336] : memref<50x4096x128xf32, #tpu.memory_space<hbm>> -> memref<1x128x128xf32, #tpu.memory_space<hbm>>
      %dma_start3A_338 = tpu.memref_squeeze %dma_start3A_337 : memref<1x128x128xf32, #tpu.memory_space<hbm>> -> memref<128x128xf32, #tpu.memory_space<hbm>>
      %dma_start3A_339 = arith.constant 0 : i32
      %dma_start3A_340 = arith.constant 0 : i32
      %dma_start3A_341 = tpu.memref_slice %arg6[%dma_start3A_328, %dma_start3A_339, %dma_start3A_340] : memref<5x128x128xf32, #tpu.memory_space<vmem>> -> memref<1x128x128xf32, #tpu.memory_space<vmem>>
      %dma_start3A_342 = tpu.memref_squeeze %dma_start3A_341 : memref<1x128x128xf32, #tpu.memory_space<vmem>> -> memref<128x128xf32, #tpu.memory_space<vmem>>
      tpu.enqueue_dma source(%dma_start3A_342 : memref<128x128xf32, #tpu.memory_space<vmem>>) target(%dma_start3A_338 : memref<128x128xf32, #tpu.memory_space<hbm>>) target_semaphore(%arg14 : memref<!tpu.dma_semaphore, #tpu.memory_space<semaphore_mem>>)
      %add3A_343 = arith.constant 3 : i32
      %add3A_344 = arith.addi %add3A_272, %add3A_343 : i32
      %lt3A_345 = arith.constant 50 : i32
      %lt3A_346 = arith.cmpi slt, %add3A_344, %lt3A_345 : i32
      %convert_element_type3A_347 = arith.extui %lt3A_346 : i1 to i32
      %cond3A_348 = arith.constant 0 : i32
      %cond3A_349 = arith.cmpi ne, %convert_element_type3A_347, %cond3A_348 : i32
      scf.if %cond3A_349 {
        %ge3A = arith.constant 5 : i32
        %ge3A_508 = arith.cmpi sge, %add3A_344, %ge3A : i32
        %convert_element_type3A_509 = arith.extui %ge3A_508 : i1 to i32
        %cond3A_510 = arith.constant 0 : i32
        %cond3A_511 = arith.cmpi ne, %convert_element_type3A_509, %cond3A_510 : i32
        scf.if %cond3A_511 {
          %dma_wait3A_523 = arith.constant 0 : i32
          %dma_wait3A_524 = arith.constant 0 : i32
          %dma_wait3A_525 = arith.constant 0 : i32
          %dma_wait3A_526 = arith.constant 0 : i32
          %dma_wait3A_527 = tpu.memref_slice %arg6[%dma_wait3A_523, %dma_wait3A_525, %dma_wait3A_526] : memref<5x128x128xf32, #tpu.memory_space<vmem>> -> memref<1x128x128xf32, #tpu.memory_space<vmem>>
          %dma_wait3A_528 = tpu.memref_squeeze %dma_wait3A_527 : memref<1x128x128xf32, #tpu.memory_space<vmem>> -> memref<128x128xf32, #tpu.memory_space<vmem>>
          %dma_wait3A_529 = arith.constant 0 : i32
          %dma_wait3A_530 = tpu.memref_slice %arg4[%dma_wait3A_524, %mul3A_2, %dma_wait3A_529] : memref<50x4096x128xf32, #tpu.memory_space<hbm>> -> memref<1x128x128xf32, #tpu.memory_space<hbm>>
          %dma_wait3A_531 = tpu.memref_squeeze %dma_wait3A_530 : memref<1x128x128xf32, #tpu.memory_space<hbm>> -> memref<128x128xf32, #tpu.memory_space<hbm>>
          %dma_wait3A_532 = arith.constant 0 : i32
          %dma_wait3A_533 = tpu.memref_slice %arg4[%dma_wait3A_524, %mul3A_2, %dma_wait3A_532] : memref<50x4096x128xf32, #tpu.memory_space<hbm>> -> memref<1x128x128xf32, #tpu.memory_space<hbm>>
          %dma_wait3A_534 = tpu.memref_squeeze %dma_wait3A_533 : memref<1x128x128xf32, #tpu.memory_space<hbm>> -> memref<128x128xf32, #tpu.memory_space<hbm>>
          %dma_wait3A_535 = arith.constant 0 : i32
          %dma_wait3A_536 = arith.constant 0 : i32
          %dma_wait3A_537 = tpu.memref_slice %arg6[%dma_wait3A_523, %dma_wait3A_535, %dma_wait3A_536] : memref<5x128x128xf32, #tpu.memory_space<vmem>> -> memref<1x128x128xf32, #tpu.memory_space<vmem>>
          %dma_wait3A_538 = tpu.memref_squeeze %dma_wait3A_537 : memref<1x128x128xf32, #tpu.memory_space<vmem>> -> memref<128x128xf32, #tpu.memory_space<vmem>>
          tpu.wait_dma2 semaphore(%arg12 : memref<!tpu.dma_semaphore, #tpu.memory_space<semaphore_mem>>) src(%dma_wait3A_538 : memref<128x128xf32, #tpu.memory_space<vmem>>) dst(%dma_wait3A_534 : memref<128x128xf32, #tpu.memory_space<hbm>>)
        } else {
        }
        %dma_start3A_512 = arith.constant 0 : i32
        %dma_start3A_513 = arith.constant 0 : i32
        %dma_start3A_514 = arith.constant 0 : i32
        %dma_start3A_515 = tpu.memref_slice %arg6[%dma_start3A_512, %dma_start3A_513, %dma_start3A_514] : memref<5x128x128xf32, #tpu.memory_space<vmem>> -> memref<1x128x128xf32, #tpu.memory_space<vmem>>
        %dma_start3A_516 = tpu.memref_squeeze %dma_start3A_515 : memref<1x128x128xf32, #tpu.memory_space<vmem>> -> memref<128x128xf32, #tpu.memory_space<vmem>>
        %dma_start3A_517 = arith.constant 0 : i32
        %dma_start3A_518 = tpu.memref_slice %arg5[%add3A_344, %dma_start3A_517] : memref<50x128xi32, #tpu.memory_space<vmem>> -> memref<1x128xi32, #tpu.memory_space<vmem>>
        %dma_start3A_519 = tpu.memref_squeeze %dma_start3A_518 : memref<1x128xi32, #tpu.memory_space<vmem>> -> memref<128xi32, #tpu.memory_space<vmem>>
        %dma_start3A_520 = arith.constant 0 : i32
        %dma_start3A_521 = arith.constant 0 : i32
        %dma_start3A_522 = tpu.memref_slice %arg3[%dma_start3A_520, %dma_start3A_521] : memref<100000x128xf32, #tpu.memory_space<hbm>> -> memref<100000x128xf32, #tpu.memory_space<hbm>>
        tpu.enqueue_indirect_dma source(%dma_start3A_522 : memref<100000x128xf32, #tpu.memory_space<hbm>>) target(%dma_start3A_516 : memref<128x128xf32, #tpu.memory_space<vmem>>) offsets(%dma_start3A_519 : memref<128xi32, #tpu.memory_space<vmem>>) semaphore(%arg7 : memref<!tpu.dma_semaphore, #tpu.memory_space<semaphore_mem>>)
      } else {
      }
      %add3A_350 = arith.constant 3 : i32
      %add3A_351 = arith.addi %mul3A_124, %add3A_350 : i32
      %dma_wait3A_352 = arith.constant 0 : i32
      %dma_wait3A_353 = arith.constant 3 : i32
      %dma_wait3A_354 = arith.constant 0 : i32
      %dma_wait3A_355 = arith.constant 0 : i32
      %dma_wait3A_356 = tpu.memref_slice %arg6[%dma_wait3A_353, %dma_wait3A_354, %dma_wait3A_355] : memref<5x128x128xf32, #tpu.memory_space<vmem>> -> memref<1x128x128xf32, #tpu.memory_space<vmem>>
      %dma_wait3A_357 = tpu.memref_squeeze %dma_wait3A_356 : memref<1x128x128xf32, #tpu.memory_space<vmem>> -> memref<128x128xf32, #tpu.memory_space<vmem>>
      %dma_wait3A_358 = arith.constant 0 : i32
      %dma_wait3A_359 = tpu.memref_slice %arg5[%dma_wait3A_352, %dma_wait3A_358] : memref<50x128xi32, #tpu.memory_space<vmem>> -> memref<1x128xi32, #tpu.memory_space<vmem>>
      %dma_wait3A_360 = tpu.memref_squeeze %dma_wait3A_359 : memref<1x128xi32, #tpu.memory_space<vmem>> -> memref<128xi32, #tpu.memory_space<vmem>>
      %dma_wait3A_361 = arith.constant 0 : i32
      %dma_wait3A_362 = arith.constant 0 : i32
      %dma_wait3A_363 = tpu.memref_slice %arg3[%dma_wait3A_361, %dma_wait3A_362] : memref<100000x128xf32, #tpu.memory_space<hbm>> -> memref<100000x128xf32, #tpu.memory_space<hbm>>
      tpu.wait_indirect_dma semaphore(%arg10 : memref<!tpu.dma_semaphore, #tpu.memory_space<semaphore_mem>>) src(%dma_wait3A_363 : memref<100000x128xf32, #tpu.memory_space<hbm>>) dst(%dma_wait3A_357 : memref<128x128xf32, #tpu.memory_space<vmem>>)
      %jit3A_364 = arith.constant 1 : i32
      %div3A_365 = arith.divsi %add3A_351, %jit3A_364 : i32
      %sign3A_366 = arith.constant 0 : i32
      %sign3A_367 = arith.cmpi sgt, %add3A_351, %sign3A_366 : i32
      %sign3A_368 = arith.extui %sign3A_367 : i1 to i32
      %sign3A_369 = arith.constant 0 : i32
      %sign3A_370 = arith.cmpi slt, %add3A_351, %sign3A_369 : i32
      %sign3A_371 = arith.extui %sign3A_370 : i1 to i32
      %sign3A_372 = arith.subi %sign3A_368, %sign3A_371 : i32
      %sign3A_373 = arith.constant 0 : i32
      %sign3A_374 = arith.cmpi sgt, %jit3A_364, %sign3A_373 : i32
      %sign3A_375 = arith.extui %sign3A_374 : i1 to i32
      %sign3A_376 = arith.constant 0 : i32
      %sign3A_377 = arith.cmpi slt, %jit3A_364, %sign3A_376 : i32
      %sign3A_378 = arith.extui %sign3A_377 : i1 to i32
      %sign3A_379 = arith.subi %sign3A_375, %sign3A_378 : i32
      %ne3A_380 = arith.cmpi ne, %sign3A_372, %sign3A_379 : i32
      %rem3A_381 = arith.remsi %add3A_351, %jit3A_364 : i32
      %ne3A_382 = arith.constant 0 : i32
      %ne3A_383 = arith.cmpi ne, %rem3A_381, %ne3A_382 : i32
      %and3A_384 = arith.andi %ne3A_380, %ne3A_383 : i1
      %sub3A_385 = arith.constant 1 : i32
      %sub3A_386 = arith.subi %div3A_365, %sub3A_385 : i32
      %select_n3A_387 = arith.select %and3A_384, %sub3A_386, %div3A_365 : i32
      %jit3A_388 = arith.constant 1 : i32
      %eq3A_389 = arith.constant 0 : i32
      %eq3A_390 = arith.cmpi eq, %jit3A_388, %eq3A_389 : i32
      %jit3A_391 = arith.constant 1 : i32
      %select_n3A_392 = arith.select %eq3A_390, %jit3A_391, %jit3A_388 : i32
      %rem3A_393 = arith.remsi %add3A_351, %select_n3A_392 : i32
      %ne3A_394 = arith.constant 0 : i32
      %ne3A_395 = arith.cmpi ne, %rem3A_393, %ne3A_394 : i32
      %lt3A_396 = arith.constant 0 : i32
      %lt3A_397 = arith.cmpi slt, %rem3A_393, %lt3A_396 : i32
      %lt3A_398 = arith.constant 0 : i32
      %lt3A_399 = arith.cmpi slt, %select_n3A_392, %lt3A_398 : i32
      %ne3A_400 = arith.xori %lt3A_397, %lt3A_399 : i1
      %and3A_401 = arith.andi %ne3A_400, %ne3A_395 : i1
      %add3A_402 = arith.addi %rem3A_393, %select_n3A_392 : i32
      %select_n3A_403 = arith.select %and3A_401, %add3A_402, %rem3A_393 : i32
      %mul3A_404 = arith.constant 128 : i32
      %mul3A_405 = arith.muli %select_n3A_403, %mul3A_404 : i32
      %add3A_406 = arith.addi %mul3A_2, %mul3A_405 : i32
      %dma_start3A_407 = arith.constant 3 : i32
      %dma_start3A_408 = arith.constant 0 : i32
      %dma_start3A_409 = arith.constant 0 : i32
      %dma_start3A_410 = tpu.memref_slice %arg6[%dma_start3A_407, %dma_start3A_408, %dma_start3A_409] : memref<5x128x128xf32, #tpu.memory_space<vmem>> -> memref<1x128x128xf32, #tpu.memory_space<vmem>>
      %dma_start3A_411 = tpu.memref_squeeze %dma_start3A_410 : memref<1x128x128xf32, #tpu.memory_space<vmem>> -> memref<128x128xf32, #tpu.memory_space<vmem>>
      %dma_start3A_412 = arith.constant 0 : i32
      %dma_start3A_413 = tpu.memref_slice %arg4[%select_n3A_387, %add3A_406, %dma_start3A_412] : memref<50x4096x128xf32, #tpu.memory_space<hbm>> -> memref<1x128x128xf32, #tpu.memory_space<hbm>>
      %dma_start3A_414 = tpu.memref_squeeze %dma_start3A_413 : memref<1x128x128xf32, #tpu.memory_space<hbm>> -> memref<128x128xf32, #tpu.memory_space<hbm>>
      %dma_start3A_415 = arith.constant 0 : i32
      %dma_start3A_416 = tpu.memref_slice %arg4[%select_n3A_387, %add3A_406, %dma_start3A_415] : memref<50x4096x128xf32, #tpu.memory_space<hbm>> -> memref<1x128x128xf32, #tpu.memory_space<hbm>>
      %dma_start3A_417 = tpu.memref_squeeze %dma_start3A_416 : memref<1x128x128xf32, #tpu.memory_space<hbm>> -> memref<128x128xf32, #tpu.memory_space<hbm>>
      %dma_start3A_418 = arith.constant 0 : i32
      %dma_start3A_419 = arith.constant 0 : i32
      %dma_start3A_420 = tpu.memref_slice %arg6[%dma_start3A_407, %dma_start3A_418, %dma_start3A_419] : memref<5x128x128xf32, #tpu.memory_space<vmem>> -> memref<1x128x128xf32, #tpu.memory_space<vmem>>
      %dma_start3A_421 = tpu.memref_squeeze %dma_start3A_420 : memref<1x128x128xf32, #tpu.memory_space<vmem>> -> memref<128x128xf32, #tpu.memory_space<vmem>>
      tpu.enqueue_dma source(%dma_start3A_421 : memref<128x128xf32, #tpu.memory_space<vmem>>) target(%dma_start3A_417 : memref<128x128xf32, #tpu.memory_space<hbm>>) target_semaphore(%arg15 : memref<!tpu.dma_semaphore, #tpu.memory_space<semaphore_mem>>)
      %add3A_422 = arith.constant 3 : i32
      %add3A_423 = arith.addi %add3A_351, %add3A_422 : i32
      %lt3A_424 = arith.constant 50 : i32
      %lt3A_425 = arith.cmpi slt, %add3A_423, %lt3A_424 : i32
      %convert_element_type3A_426 = arith.extui %lt3A_425 : i1 to i32
      %cond3A_427 = arith.constant 0 : i32
      %cond3A_428 = arith.cmpi ne, %convert_element_type3A_426, %cond3A_427 : i32
      scf.if %cond3A_428 {
        %ge3A = arith.constant 5 : i32
        %ge3A_508 = arith.cmpi sge, %add3A_423, %ge3A : i32
        %convert_element_type3A_509 = arith.extui %ge3A_508 : i1 to i32
        %cond3A_510 = arith.constant 0 : i32
        %cond3A_511 = arith.cmpi ne, %convert_element_type3A_509, %cond3A_510 : i32
        scf.if %cond3A_511 {
          %dma_wait3A_523 = arith.constant 1 : i32
          %dma_wait3A_524 = arith.constant 0 : i32
          %dma_wait3A_525 = arith.constant 0 : i32
          %dma_wait3A_526 = arith.constant 0 : i32
          %dma_wait3A_527 = tpu.memref_slice %arg6[%dma_wait3A_523, %dma_wait3A_525, %dma_wait3A_526] : memref<5x128x128xf32, #tpu.memory_space<vmem>> -> memref<1x128x128xf32, #tpu.memory_space<vmem>>
          %dma_wait3A_528 = tpu.memref_squeeze %dma_wait3A_527 : memref<1x128x128xf32, #tpu.memory_space<vmem>> -> memref<128x128xf32, #tpu.memory_space<vmem>>
          %dma_wait3A_529 = arith.constant 0 : i32
          %dma_wait3A_530 = tpu.memref_slice %arg4[%dma_wait3A_524, %mul3A_2, %dma_wait3A_529] : memref<50x4096x128xf32, #tpu.memory_space<hbm>> -> memref<1x128x128xf32, #tpu.memory_space<hbm>>
          %dma_wait3A_531 = tpu.memref_squeeze %dma_wait3A_530 : memref<1x128x128xf32, #tpu.memory_space<hbm>> -> memref<128x128xf32, #tpu.memory_space<hbm>>
          %dma_wait3A_532 = arith.constant 0 : i32
          %dma_wait3A_533 = tpu.memref_slice %arg4[%dma_wait3A_524, %mul3A_2, %dma_wait3A_532] : memref<50x4096x128xf32, #tpu.memory_space<hbm>> -> memref<1x128x128xf32, #tpu.memory_space<hbm>>
          %dma_wait3A_534 = tpu.memref_squeeze %dma_wait3A_533 : memref<1x128x128xf32, #tpu.memory_space<hbm>> -> memref<128x128xf32, #tpu.memory_space<hbm>>
          %dma_wait3A_535 = arith.constant 0 : i32
          %dma_wait3A_536 = arith.constant 0 : i32
          %dma_wait3A_537 = tpu.memref_slice %arg6[%dma_wait3A_523, %dma_wait3A_535, %dma_wait3A_536] : memref<5x128x128xf32, #tpu.memory_space<vmem>> -> memref<1x128x128xf32, #tpu.memory_space<vmem>>
          %dma_wait3A_538 = tpu.memref_squeeze %dma_wait3A_537 : memref<1x128x128xf32, #tpu.memory_space<vmem>> -> memref<128x128xf32, #tpu.memory_space<vmem>>
          tpu.wait_dma2 semaphore(%arg13 : memref<!tpu.dma_semaphore, #tpu.memory_space<semaphore_mem>>) src(%dma_wait3A_538 : memref<128x128xf32, #tpu.memory_space<vmem>>) dst(%dma_wait3A_534 : memref<128x128xf32, #tpu.memory_space<hbm>>)
        } else {
        }
        %dma_start3A_512 = arith.constant 1 : i32
        %dma_start3A_513 = arith.constant 0 : i32
        %dma_start3A_514 = arith.constant 0 : i32
        %dma_start3A_515 = tpu.memref_slice %arg6[%dma_start3A_512, %dma_start3A_513, %dma_start3A_514] : memref<5x128x128xf32, #tpu.memory_space<vmem>> -> memref<1x128x128xf32, #tpu.memory_space<vmem>>
        %dma_start3A_516 = tpu.memref_squeeze %dma_start3A_515 : memref<1x128x128xf32, #tpu.memory_space<vmem>> -> memref<128x128xf32, #tpu.memory_space<vmem>>
        %dma_start3A_517 = arith.constant 0 : i32
        %dma_start3A_518 = tpu.memref_slice %arg5[%add3A_423, %dma_start3A_517] : memref<50x128xi32, #tpu.memory_space<vmem>> -> memref<1x128xi32, #tpu.memory_space<vmem>>
        %dma_start3A_519 = tpu.memref_squeeze %dma_start3A_518 : memref<1x128xi32, #tpu.memory_space<vmem>> -> memref<128xi32, #tpu.memory_space<vmem>>
        %dma_start3A_520 = arith.constant 0 : i32
        %dma_start3A_521 = arith.constant 0 : i32
        %dma_start3A_522 = tpu.memref_slice %arg3[%dma_start3A_520, %dma_start3A_521] : memref<100000x128xf32, #tpu.memory_space<hbm>> -> memref<100000x128xf32, #tpu.memory_space<hbm>>
        tpu.enqueue_indirect_dma source(%dma_start3A_522 : memref<100000x128xf32, #tpu.memory_space<hbm>>) target(%dma_start3A_516 : memref<128x128xf32, #tpu.memory_space<vmem>>) offsets(%dma_start3A_519 : memref<128xi32, #tpu.memory_space<vmem>>) semaphore(%arg8 : memref<!tpu.dma_semaphore, #tpu.memory_space<semaphore_mem>>)
      } else {
      }
      %add3A_429 = arith.constant 4 : i32
      %add3A_430 = arith.addi %mul3A_124, %add3A_429 : i32
      %dma_wait3A_431 = arith.constant 0 : i32
      %dma_wait3A_432 = arith.constant 4 : i32
      %dma_wait3A_433 = arith.constant 0 : i32
      %dma_wait3A_434 = arith.constant 0 : i32
      %dma_wait3A_435 = tpu.memref_slice %arg6[%dma_wait3A_432, %dma_wait3A_433, %dma_wait3A_434] : memref<5x128x128xf32, #tpu.memory_space<vmem>> -> memref<1x128x128xf32, #tpu.memory_space<vmem>>
      %dma_wait3A_436 = tpu.memref_squeeze %dma_wait3A_435 : memref<1x128x128xf32, #tpu.memory_space<vmem>> -> memref<128x128xf32, #tpu.memory_space<vmem>>
      %dma_wait3A_437 = arith.constant 0 : i32
      %dma_wait3A_438 = tpu.memref_slice %arg5[%dma_wait3A_431, %dma_wait3A_437] : memref<50x128xi32, #tpu.memory_space<vmem>> -> memref<1x128xi32, #tpu.memory_space<vmem>>
      %dma_wait3A_439 = tpu.memref_squeeze %dma_wait3A_438 : memref<1x128xi32, #tpu.memory_space<vmem>> -> memref<128xi32, #tpu.memory_space<vmem>>
      %dma_wait3A_440 = arith.constant 0 : i32
      %dma_wait3A_441 = arith.constant 0 : i32
      %dma_wait3A_442 = tpu.memref_slice %arg3[%dma_wait3A_440, %dma_wait3A_441] : memref<100000x128xf32, #tpu.memory_space<hbm>> -> memref<100000x128xf32, #tpu.memory_space<hbm>>
      tpu.wait_indirect_dma semaphore(%arg11 : memref<!tpu.dma_semaphore, #tpu.memory_space<semaphore_mem>>) src(%dma_wait3A_442 : memref<100000x128xf32, #tpu.memory_space<hbm>>) dst(%dma_wait3A_436 : memref<128x128xf32, #tpu.memory_space<vmem>>)
      %jit3A_443 = arith.constant 1 : i32
      %div3A_444 = arith.divsi %add3A_430, %jit3A_443 : i32
      %sign3A_445 = arith.constant 0 : i32
      %sign3A_446 = arith.cmpi sgt, %add3A_430, %sign3A_445 : i32
      %sign3A_447 = arith.extui %sign3A_446 : i1 to i32
      %sign3A_448 = arith.constant 0 : i32
      %sign3A_449 = arith.cmpi slt, %add3A_430, %sign3A_448 : i32
      %sign3A_450 = arith.extui %sign3A_449 : i1 to i32
      %sign3A_451 = arith.subi %sign3A_447, %sign3A_450 : i32
      %sign3A_452 = arith.constant 0 : i32
      %sign3A_453 = arith.cmpi sgt, %jit3A_443, %sign3A_452 : i32
      %sign3A_454 = arith.extui %sign3A_453 : i1 to i32
      %sign3A_455 = arith.constant 0 : i32
      %sign3A_456 = arith.cmpi slt, %jit3A_443, %sign3A_455 : i32
      %sign3A_457 = arith.extui %sign3A_456 : i1 to i32
      %sign3A_458 = arith.subi %sign3A_454, %sign3A_457 : i32
      %ne3A_459 = arith.cmpi ne, %sign3A_451, %sign3A_458 : i32
      %rem3A_460 = arith.remsi %add3A_430, %jit3A_443 : i32
      %ne3A_461 = arith.constant 0 : i32
      %ne3A_462 = arith.cmpi ne, %rem3A_460, %ne3A_461 : i32
      %and3A_463 = arith.andi %ne3A_459, %ne3A_462 : i1
      %sub3A_464 = arith.constant 1 : i32
      %sub3A_465 = arith.subi %div3A_444, %sub3A_464 : i32
      %select_n3A_466 = arith.select %and3A_463, %sub3A_465, %div3A_444 : i32
      %jit3A_467 = arith.constant 1 : i32
      %eq3A_468 = arith.constant 0 : i32
      %eq3A_469 = arith.cmpi eq, %jit3A_467, %eq3A_468 : i32
      %jit3A_470 = arith.constant 1 : i32
      %select_n3A_471 = arith.select %eq3A_469, %jit3A_470, %jit3A_467 : i32
      %rem3A_472 = arith.remsi %add3A_430, %select_n3A_471 : i32
      %ne3A_473 = arith.constant 0 : i32
      %ne3A_474 = arith.cmpi ne, %rem3A_472, %ne3A_473 : i32
      %lt3A_475 = arith.constant 0 : i32
      %lt3A_476 = arith.cmpi slt, %rem3A_472, %lt3A_475 : i32
      %lt3A_477 = arith.constant 0 : i32
      %lt3A_478 = arith.cmpi slt, %select_n3A_471, %lt3A_477 : i32
      %ne3A_479 = arith.xori %lt3A_476, %lt3A_478 : i1
      %and3A_480 = arith.andi %ne3A_479, %ne3A_474 : i1
      %add3A_481 = arith.addi %rem3A_472, %select_n3A_471 : i32
      %select_n3A_482 = arith.select %and3A_480, %add3A_481, %rem3A_472 : i32
      %mul3A_483 = arith.constant 128 : i32
      %mul3A_484 = arith.muli %select_n3A_482, %mul3A_483 : i32
      %add3A_485 = arith.addi %mul3A_2, %mul3A_484 : i32
      %dma_start3A_486 = arith.constant 4 : i32
      %dma_start3A_487 = arith.constant 0 : i32
      %dma_start3A_488 = arith.constant 0 : i32
      %dma_start3A_489 = tpu.memref_slice %arg6[%dma_start3A_486, %dma_start3A_487, %dma_start3A_488] : memref<5x128x128xf32, #tpu.memory_space<vmem>> -> memref<1x128x128xf32, #tpu.memory_space<vmem>>
      %dma_start3A_490 = tpu.memref_squeeze %dma_start3A_489 : memref<1x128x128xf32, #tpu.memory_space<vmem>> -> memref<128x128xf32, #tpu.memory_space<vmem>>
      %dma_start3A_491 = arith.constant 0 : i32
      %dma_start3A_492 = tpu.memref_slice %arg4[%select_n3A_466, %add3A_485, %dma_start3A_491] : memref<50x4096x128xf32, #tpu.memory_space<hbm>> -> memref<1x128x128xf32, #tpu.memory_space<hbm>>
      %dma_start3A_493 = tpu.memref_squeeze %dma_start3A_492 : memref<1x128x128xf32, #tpu.memory_space<hbm>> -> memref<128x128xf32, #tpu.memory_space<hbm>>
      %dma_start3A_494 = arith.constant 0 : i32
      %dma_start3A_495 = tpu.memref_slice %arg4[%select_n3A_466, %add3A_485, %dma_start3A_494] : memref<50x4096x128xf32, #tpu.memory_space<hbm>> -> memref<1x128x128xf32, #tpu.memory_space<hbm>>
      %dma_start3A_496 = tpu.memref_squeeze %dma_start3A_495 : memref<1x128x128xf32, #tpu.memory_space<hbm>> -> memref<128x128xf32, #tpu.memory_space<hbm>>
      %dma_start3A_497 = arith.constant 0 : i32
      %dma_start3A_498 = arith.constant 0 : i32
      %dma_start3A_499 = tpu.memref_slice %arg6[%dma_start3A_486, %dma_start3A_497, %dma_start3A_498] : memref<5x128x128xf32, #tpu.memory_space<vmem>> -> memref<1x128x128xf32, #tpu.memory_space<vmem>>
      %dma_start3A_500 = tpu.memref_squeeze %dma_start3A_499 : memref<1x128x128xf32, #tpu.memory_space<vmem>> -> memref<128x128xf32, #tpu.memory_space<vmem>>
      tpu.enqueue_dma source(%dma_start3A_500 : memref<128x128xf32, #tpu.memory_space<vmem>>) target(%dma_start3A_496 : memref<128x128xf32, #tpu.memory_space<hbm>>) target_semaphore(%arg16 : memref<!tpu.dma_semaphore, #tpu.memory_space<semaphore_mem>>)
      %add3A_501 = arith.constant 3 : i32
      %add3A_502 = arith.addi %add3A_430, %add3A_501 : i32
      %lt3A_503 = arith.constant 50 : i32
      %lt3A_504 = arith.cmpi slt, %add3A_502, %lt3A_503 : i32
      %convert_element_type3A_505 = arith.extui %lt3A_504 : i1 to i32
      %cond3A_506 = arith.constant 0 : i32
      %cond3A_507 = arith.cmpi ne, %convert_element_type3A_505, %cond3A_506 : i32
      scf.if %cond3A_507 {
        %ge3A = arith.constant 5 : i32
        %ge3A_508 = arith.cmpi sge, %add3A_502, %ge3A : i32
        %convert_element_type3A_509 = arith.extui %ge3A_508 : i1 to i32
        %cond3A_510 = arith.constant 0 : i32
        %cond3A_511 = arith.cmpi ne, %convert_element_type3A_509, %cond3A_510 : i32
        scf.if %cond3A_511 {
          %dma_wait3A_523 = arith.constant 2 : i32
          %dma_wait3A_524 = arith.constant 0 : i32
          %dma_wait3A_525 = arith.constant 0 : i32
          %dma_wait3A_526 = arith.constant 0 : i32
          %dma_wait3A_527 = tpu.memref_slice %arg6[%dma_wait3A_523, %dma_wait3A_525, %dma_wait3A_526] : memref<5x128x128xf32, #tpu.memory_space<vmem>> -> memref<1x128x128xf32, #tpu.memory_space<vmem>>
          %dma_wait3A_528 = tpu.memref_squeeze %dma_wait3A_527 : memref<1x128x128xf32, #tpu.memory_space<vmem>> -> memref<128x128xf32, #tpu.memory_space<vmem>>
          %dma_wait3A_529 = arith.constant 0 : i32
          %dma_wait3A_530 = tpu.memref_slice %arg4[%dma_wait3A_524, %mul3A_2, %dma_wait3A_529] : memref<50x4096x128xf32, #tpu.memory_space<hbm>> -> memref<1x128x128xf32, #tpu.memory_space<hbm>>
          %dma_wait3A_531 = tpu.memref_squeeze %dma_wait3A_530 : memref<1x128x128xf32, #tpu.memory_space<hbm>> -> memref<128x128xf32, #tpu.memory_space<hbm>>
          %dma_wait3A_532 = arith.constant 0 : i32
          %dma_wait3A_533 = tpu.memref_slice %arg4[%dma_wait3A_524, %mul3A_2, %dma_wait3A_532] : memref<50x4096x128xf32, #tpu.memory_space<hbm>> -> memref<1x128x128xf32, #tpu.memory_space<hbm>>
          %dma_wait3A_534 = tpu.memref_squeeze %dma_wait3A_533 : memref<1x128x128xf32, #tpu.memory_space<hbm>> -> memref<128x128xf32, #tpu.memory_space<hbm>>
          %dma_wait3A_535 = arith.constant 0 : i32
          %dma_wait3A_536 = arith.constant 0 : i32
          %dma_wait3A_537 = tpu.memref_slice %arg6[%dma_wait3A_523, %dma_wait3A_535, %dma_wait3A_536] : memref<5x128x128xf32, #tpu.memory_space<vmem>> -> memref<1x128x128xf32, #tpu.memory_space<vmem>>
          %dma_wait3A_538 = tpu.memref_squeeze %dma_wait3A_537 : memref<1x128x128xf32, #tpu.memory_space<vmem>> -> memref<128x128xf32, #tpu.memory_space<vmem>>
          tpu.wait_dma2 semaphore(%arg14 : memref<!tpu.dma_semaphore, #tpu.memory_space<semaphore_mem>>) src(%dma_wait3A_538 : memref<128x128xf32, #tpu.memory_space<vmem>>) dst(%dma_wait3A_534 : memref<128x128xf32, #tpu.memory_space<hbm>>)
        } else {
        }
        %dma_start3A_512 = arith.constant 2 : i32
        %dma_start3A_513 = arith.constant 0 : i32
        %dma_start3A_514 = arith.constant 0 : i32
        %dma_start3A_515 = tpu.memref_slice %arg6[%dma_start3A_512, %dma_start3A_513, %dma_start3A_514] : memref<5x128x128xf32, #tpu.memory_space<vmem>> -> memref<1x128x128xf32, #tpu.memory_space<vmem>>
        %dma_start3A_516 = tpu.memref_squeeze %dma_start3A_515 : memref<1x128x128xf32, #tpu.memory_space<vmem>> -> memref<128x128xf32, #tpu.memory_space<vmem>>
        %dma_start3A_517 = arith.constant 0 : i32
        %dma_start3A_518 = tpu.memref_slice %arg5[%add3A_502, %dma_start3A_517] : memref<50x128xi32, #tpu.memory_space<vmem>> -> memref<1x128xi32, #tpu.memory_space<vmem>>
        %dma_start3A_519 = tpu.memref_squeeze %dma_start3A_518 : memref<1x128xi32, #tpu.memory_space<vmem>> -> memref<128xi32, #tpu.memory_space<vmem>>
        %dma_start3A_520 = arith.constant 0 : i32
        %dma_start3A_521 = arith.constant 0 : i32
        %dma_start3A_522 = tpu.memref_slice %arg3[%dma_start3A_520, %dma_start3A_521] : memref<100000x128xf32, #tpu.memory_space<hbm>> -> memref<100000x128xf32, #tpu.memory_space<hbm>>
        tpu.enqueue_indirect_dma source(%dma_start3A_522 : memref<100000x128xf32, #tpu.memory_space<hbm>>) target(%dma_start3A_516 : memref<128x128xf32, #tpu.memory_space<vmem>>) offsets(%dma_start3A_519 : memref<128xi32, #tpu.memory_space<vmem>>) semaphore(%arg9 : memref<!tpu.dma_semaphore, #tpu.memory_space<semaphore_mem>>)
      } else {
      }
    }
    %scan3A_42 = arith.constant 10 : i32
    %dma_wait3A = arith.constant 0 : i32
    %dma_wait3A_43 = arith.constant 0 : i32
    %dma_wait3A_44 = arith.constant 0 : i32
    %dma_wait3A_45 = arith.constant 0 : i32
    %dma_wait3A_46 = tpu.memref_slice %arg6[%dma_wait3A, %dma_wait3A_44, %dma_wait3A_45] : memref<5x128x128xf32, #tpu.memory_space<vmem>> -> memref<1x128x128xf32, #tpu.memory_space<vmem>>
    %dma_wait3A_47 = tpu.memref_squeeze %dma_wait3A_46 : memref<1x128x128xf32, #tpu.memory_space<vmem>> -> memref<128x128xf32, #tpu.memory_space<vmem>>
    %dma_wait3A_48 = arith.constant 0 : i32
    %dma_wait3A_49 = tpu.memref_slice %arg4[%dma_wait3A_43, %mul3A_2, %dma_wait3A_48] : memref<50x4096x128xf32, #tpu.memory_space<hbm>> -> memref<1x128x128xf32, #tpu.memory_space<hbm>>
    %dma_wait3A_50 = tpu.memref_squeeze %dma_wait3A_49 : memref<1x128x128xf32, #tpu.memory_space<hbm>> -> memref<128x128xf32, #tpu.memory_space<hbm>>
    %dma_wait3A_51 = arith.constant 0 : i32
    %dma_wait3A_52 = tpu.memref_slice %arg4[%dma_wait3A_43, %mul3A_2, %dma_wait3A_51] : memref<50x4096x128xf32, #tpu.memory_space<hbm>> -> memref<1x128x128xf32, #tpu.memory_space<hbm>>
    %dma_wait3A_53 = tpu.memref_squeeze %dma_wait3A_52 : memref<1x128x128xf32, #tpu.memory_space<hbm>> -> memref<128x128xf32, #tpu.memory_space<hbm>>
    %dma_wait3A_54 = arith.constant 0 : i32
    %dma_wait3A_55 = arith.constant 0 : i32
    %dma_wait3A_56 = tpu.memref_slice %arg6[%dma_wait3A, %dma_wait3A_54, %dma_wait3A_55] : memref<5x128x128xf32, #tpu.memory_space<vmem>> -> memref<1x128x128xf32, #tpu.memory_space<vmem>>
    %dma_wait3A_57 = tpu.memref_squeeze %dma_wait3A_56 : memref<1x128x128xf32, #tpu.memory_space<vmem>> -> memref<128x128xf32, #tpu.memory_space<vmem>>
    tpu.wait_dma2 semaphore(%arg12 : memref<!tpu.dma_semaphore, #tpu.memory_space<semaphore_mem>>) src(%dma_wait3A_57 : memref<128x128xf32, #tpu.memory_space<vmem>>) dst(%dma_wait3A_53 : memref<128x128xf32, #tpu.memory_space<hbm>>)
    %dma_wait3A_58 = arith.constant 1 : i32
    %dma_wait3A_59 = arith.constant 0 : i32
    %dma_wait3A_60 = arith.constant 0 : i32
    %dma_wait3A_61 = arith.constant 0 : i32
    %dma_wait3A_62 = tpu.memref_slice %arg6[%dma_wait3A_58, %dma_wait3A_60, %dma_wait3A_61] : memref<5x128x128xf32, #tpu.memory_space<vmem>> -> memref<1x128x128xf32, #tpu.memory_space<vmem>>
    %dma_wait3A_63 = tpu.memref_squeeze %dma_wait3A_62 : memref<1x128x128xf32, #tpu.memory_space<vmem>> -> memref<128x128xf32, #tpu.memory_space<vmem>>
    %dma_wait3A_64 = arith.constant 0 : i32
    %dma_wait3A_65 = tpu.memref_slice %arg4[%dma_wait3A_59, %mul3A_2, %dma_wait3A_64] : memref<50x4096x128xf32, #tpu.memory_space<hbm>> -> memref<1x128x128xf32, #tpu.memory_space<hbm>>
    %dma_wait3A_66 = tpu.memref_squeeze %dma_wait3A_65 : memref<1x128x128xf32, #tpu.memory_space<hbm>> -> memref<128x128xf32, #tpu.memory_space<hbm>>
    %dma_wait3A_67 = arith.constant 0 : i32
    %dma_wait3A_68 = tpu.memref_slice %arg4[%dma_wait3A_59, %mul3A_2, %dma_wait3A_67] : memref<50x4096x128xf32, #tpu.memory_space<hbm>> -> memref<1x128x128xf32, #tpu.memory_space<hbm>>
    %dma_wait3A_69 = tpu.memref_squeeze %dma_wait3A_68 : memref<1x128x128xf32, #tpu.memory_space<hbm>> -> memref<128x128xf32, #tpu.memory_space<hbm>>
    %dma_wait3A_70 = arith.constant 0 : i32
    %dma_wait3A_71 = arith.constant 0 : i32
    %dma_wait3A_72 = tpu.memref_slice %arg6[%dma_wait3A_58, %dma_wait3A_70, %dma_wait3A_71] : memref<5x128x128xf32, #tpu.memory_space<vmem>> -> memref<1x128x128xf32, #tpu.memory_space<vmem>>
    %dma_wait3A_73 = tpu.memref_squeeze %dma_wait3A_72 : memref<1x128x128xf32, #tpu.memory_space<vmem>> -> memref<128x128xf32, #tpu.memory_space<vmem>>
    tpu.wait_dma2 semaphore(%arg13 : memref<!tpu.dma_semaphore, #tpu.memory_space<semaphore_mem>>) src(%dma_wait3A_73 : memref<128x128xf32, #tpu.memory_space<vmem>>) dst(%dma_wait3A_69 : memref<128x128xf32, #tpu.memory_space<hbm>>)
    %dma_wait3A_74 = arith.constant 2 : i32
    %dma_wait3A_75 = arith.constant 0 : i32
    %dma_wait3A_76 = arith.constant 0 : i32
    %dma_wait3A_77 = arith.constant 0 : i32
    %dma_wait3A_78 = tpu.memref_slice %arg6[%dma_wait3A_74, %dma_wait3A_76, %dma_wait3A_77] : memref<5x128x128xf32, #tpu.memory_space<vmem>> -> memref<1x128x128xf32, #tpu.memory_space<vmem>>
    %dma_wait3A_79 = tpu.memref_squeeze %dma_wait3A_78 : memref<1x128x128xf32, #tpu.memory_space<vmem>> -> memref<128x128xf32, #tpu.memory_space<vmem>>
    %dma_wait3A_80 = arith.constant 0 : i32
    %dma_wait3A_81 = tpu.memref_slice %arg4[%dma_wait3A_75, %mul3A_2, %dma_wait3A_80] : memref<50x4096x128xf32, #tpu.memory_space<hbm>> -> memref<1x128x128xf32, #tpu.memory_space<hbm>>
    %dma_wait3A_82 = tpu.memref_squeeze %dma_wait3A_81 : memref<1x128x128xf32, #tpu.memory_space<hbm>> -> memref<128x128xf32, #tpu.memory_space<hbm>>
    %dma_wait3A_83 = arith.constant 0 : i32
    %dma_wait3A_84 = tpu.memref_slice %arg4[%dma_wait3A_75, %mul3A_2, %dma_wait3A_83] : memref<50x4096x128xf32, #tpu.memory_space<hbm>> -> memref<1x128x128xf32, #tpu.memory_space<hbm>>
    %dma_wait3A_85 = tpu.memref_squeeze %dma_wait3A_84 : memref<1x128x128xf32, #tpu.memory_space<hbm>> -> memref<128x128xf32, #tpu.memory_space<hbm>>
    %dma_wait3A_86 = arith.constant 0 : i32
    %dma_wait3A_87 = arith.constant 0 : i32
    %dma_wait3A_88 = tpu.memref_slice %arg6[%dma_wait3A_74, %dma_wait3A_86, %dma_wait3A_87] : memref<5x128x128xf32, #tpu.memory_space<vmem>> -> memref<1x128x128xf32, #tpu.memory_space<vmem>>
    %dma_wait3A_89 = tpu.memref_squeeze %dma_wait3A_88 : memref<1x128x128xf32, #tpu.memory_space<vmem>> -> memref<128x128xf32, #tpu.memory_space<vmem>>
    tpu.wait_dma2 semaphore(%arg14 : memref<!tpu.dma_semaphore, #tpu.memory_space<semaphore_mem>>) src(%dma_wait3A_89 : memref<128x128xf32, #tpu.memory_space<vmem>>) dst(%dma_wait3A_85 : memref<128x128xf32, #tpu.memory_space<hbm>>)
    %dma_wait3A_90 = arith.constant 3 : i32
    %dma_wait3A_91 = arith.constant 0 : i32
    %dma_wait3A_92 = arith.constant 0 : i32
    %dma_wait3A_93 = arith.constant 0 : i32
    %dma_wait3A_94 = tpu.memref_slice %arg6[%dma_wait3A_90, %dma_wait3A_92, %dma_wait3A_93] : memref<5x128x128xf32, #tpu.memory_space<vmem>> -> memref<1x128x128xf32, #tpu.memory_space<vmem>>
    %dma_wait3A_95 = tpu.memref_squeeze %dma_wait3A_94 : memref<1x128x128xf32, #tpu.memory_space<vmem>> -> memref<128x128xf32, #tpu.memory_space<vmem>>
    %dma_wait3A_96 = arith.constant 0 : i32
    %dma_wait3A_97 = tpu.memref_slice %arg4[%dma_wait3A_91, %mul3A_2, %dma_wait3A_96] : memref<50x4096x128xf32, #tpu.memory_space<hbm>> -> memref<1x128x128xf32, #tpu.memory_space<hbm>>
    %dma_wait3A_98 = tpu.memref_squeeze %dma_wait3A_97 : memref<1x128x128xf32, #tpu.memory_space<hbm>> -> memref<128x128xf32, #tpu.memory_space<hbm>>
    %dma_wait3A_99 = arith.constant 0 : i32
    %dma_wait3A_100 = tpu.memref_slice %arg4[%dma_wait3A_91, %mul3A_2, %dma_wait3A_99] : memref<50x4096x128xf32, #tpu.memory_space<hbm>> -> memref<1x128x128xf32, #tpu.memory_space<hbm>>
    %dma_wait3A_101 = tpu.memref_squeeze %dma_wait3A_100 : memref<1x128x128xf32, #tpu.memory_space<hbm>> -> memref<128x128xf32, #tpu.memory_space<hbm>>
    %dma_wait3A_102 = arith.constant 0 : i32
    %dma_wait3A_103 = arith.constant 0 : i32
    %dma_wait3A_104 = tpu.memref_slice %arg6[%dma_wait3A_90, %dma_wait3A_102, %dma_wait3A_103] : memref<5x128x128xf32, #tpu.memory_space<vmem>> -> memref<1x128x128xf32, #tpu.memory_space<vmem>>
    %dma_wait3A_105 = tpu.memref_squeeze %dma_wait3A_104 : memref<1x128x128xf32, #tpu.memory_space<vmem>> -> memref<128x128xf32, #tpu.memory_space<vmem>>
    tpu.wait_dma2 semaphore(%arg15 : memref<!tpu.dma_semaphore, #tpu.memory_space<semaphore_mem>>) src(%dma_wait3A_105 : memref<128x128xf32, #tpu.memory_space<vmem>>) dst(%dma_wait3A_101 : memref<128x128xf32, #tpu.memory_space<hbm>>)
    %dma_wait3A_106 = arith.constant 4 : i32
    %dma_wait3A_107 = arith.constant 0 : i32
    %dma_wait3A_108 = arith.constant 0 : i32
    %dma_wait3A_109 = arith.constant 0 : i32
    %dma_wait3A_110 = tpu.memref_slice %arg6[%dma_wait3A_106, %dma_wait3A_108, %dma_wait3A_109] : memref<5x128x128xf32, #tpu.memory_space<vmem>> -> memref<1x128x128xf32, #tpu.memory_space<vmem>>
    %dma_wait3A_111 = tpu.memref_squeeze %dma_wait3A_110 : memref<1x128x128xf32, #tpu.memory_space<vmem>> -> memref<128x128xf32, #tpu.memory_space<vmem>>
    %dma_wait3A_112 = arith.constant 0 : i32
    %dma_wait3A_113 = tpu.memref_slice %arg4[%dma_wait3A_107, %mul3A_2, %dma_wait3A_112] : memref<50x4096x128xf32, #tpu.memory_space<hbm>> -> memref<1x128x128xf32, #tpu.memory_space<hbm>>
    %dma_wait3A_114 = tpu.memref_squeeze %dma_wait3A_113 : memref<1x128x128xf32, #tpu.memory_space<hbm>> -> memref<128x128xf32, #tpu.memory_space<hbm>>
    %dma_wait3A_115 = arith.constant 0 : i32
    %dma_wait3A_116 = tpu.memref_slice %arg4[%dma_wait3A_107, %mul3A_2, %dma_wait3A_115] : memref<50x4096x128xf32, #tpu.memory_space<hbm>> -> memref<1x128x128xf32, #tpu.memory_space<hbm>>
    %dma_wait3A_117 = tpu.memref_squeeze %dma_wait3A_116 : memref<1x128x128xf32, #tpu.memory_space<hbm>> -> memref<128x128xf32, #tpu.memory_space<hbm>>
    %dma_wait3A_118 = arith.constant 0 : i32
    %dma_wait3A_119 = arith.constant 0 : i32
    %dma_wait3A_120 = tpu.memref_slice %arg6[%dma_wait3A_106, %dma_wait3A_118, %dma_wait3A_119] : memref<5x128x128xf32, #tpu.memory_space<vmem>> -> memref<1x128x128xf32, #tpu.memory_space<vmem>>
    %dma_wait3A_121 = tpu.memref_squeeze %dma_wait3A_120 : memref<1x128x128xf32, #tpu.memory_space<vmem>> -> memref<128x128xf32, #tpu.memory_space<vmem>>
    tpu.wait_dma2 semaphore(%arg16 : memref<!tpu.dma_semaphore, #tpu.memory_space<semaphore_mem>>) src(%dma_wait3A_121 : memref<128x128xf32, #tpu.memory_space<vmem>>) dst(%dma_wait3A_117 : memref<128x128xf32, #tpu.memory_space<hbm>>)
    return
  }
}

</mosaic_0001>

<sc_bundles>
// kernel: _gather_sc.3.cloned.1.call-start
scs
__scs_entry_jumppad:
0x0: {  	(pc) =	sbr.rel $0x88, $3  }
0x1: {  	(tag) =	ssettag $0x0;
	lr =	simm.s32 $0x1  }
0x2: {  	[smem:$0x3F9F] =	sst lr;
	_ =	strace $0xD0000000  }
0x3: {  	_ = 	snop  }
0x4: {  	_ = 	snop  }
0x5: {  	_ = 	snop  }
0x6: {  	_ = 	snop  }
0x7: {  	_ = 	snop  }
__scs_overlays_trampoline_lowered:
0x8: {  	[smem:$0x3FAE] =	sst s0  }
0x9: {  	[smem:$0x3FAF] =	sst s1  }
0xa: {  	[smem:$0x3FB0] =	sst s2  }
0xb: {  	[smem:$0x3FB1] =	sst s3  }
0xc: {  	[smem:$0x3FB2] =	sst s4  }
0xd: {  	[smem:$0x3FB3] =	sst s5  }
0xe: {  	[smem:$0x3FB4] =	sst s6  }
0xf: {  	[smem:$0x3FB5] =	sst s7  }
0x10: {  	[smem:$0x3FB6] =	sst s8  }
0x11: {  	[smem:$0x3FB7] =	sst s9;
	s0 =	simm.s32 @!p0 $0x0  }
0x12: {  	s1 =	sld [smem:$0x3F9D];
	s0 =	simm.s32 @p0 $0x1  }
0x13: {  	[smem:$0x3FB8] =	sst s0;
	s0 =	simm.s32 @!p1 $0x0  }
0x14: {  	s2 =	sld [smem:$0x3F9C];
	s0 =	simm.s32 @p1 $0x1  }
0x15: {  	[smem:$0x3FB9] =	sst s0;
	s0 =	simm.s32 @!p2 $0x0  }
0x16: {  	s3 =	sld [smem:$0x3FDB];
	s0 =	simm.s32 @p2 $0x1  }
0x17: {  	s4 =	simm.s32 $0x1BF5;
	[smem:$0x3FBB] =	sst s0  }
0x18: {  	s0 =	sld [smem:$0x3F9E];
	_ =	swait.ge [sflag:s4], $0x0  }
0x19: {  	s7 =	sld [smem:$0x3F9F]  }
0x1a: {  	s8 =	sadd.s32 $0xFFFFE003, lr  }
0x1b: {  	s9 =	sadd.s32 $0xFFFFFEF7, lr;
	s5 =	simm.s32 $0xFFFFFFFF;
	p2 =	slt.u32 s8, $0xFFFFF086  }
0x1c: {  	p1 =	slt.u32 s9, $0xF7A;
	s5 =	simm.s32 @!p2 $0x0  }
0x1d: {  	s5 =	simm.s32 @p1 $0x1;
	p0 =	seq.s32 s7, s2  }
0x1e: {  	s7 =	smul.u32 @!p0 $0xF7A, s2;
	p2 =	seq.s32 @!p0 s5, $0x0  }
0x1f: {  	s9 =	smul.u32 $0xF7A, s1;
	s8 =	simm.s32 @!p0 $0x1BF5;
	p2 =	por !p2, p0  }
0x20: {  	[sflag:s8] =	ssyncset.s32 @!p0 $0xFFFFF086;
	s6 =	sadd.s32 @!p0 s3, s7;
	s7 =	simm.s32 @!p0 $0x108  }
0x21: {  	s3 =	sadd.s32 s3, s9;
	s6 =	sadd.s32 @!p0 $0x88, s6;
	s7 =	simm.s32 @p2 $0x1082  }
0x22: {  	[simem:s7], [sflag:s8] =	dma.local @!p0 [hbm:s6], $0xF7A  }
0x23: {  	s9 =	sor.u32 $0xD0000000, s2;
	s6 =	simm.s32 $0x108;
	_ =	swait.ge @!p0 [sflag:s8], $0x0  }
0x24: {  	s3 =	sadd.s32 $0x88, s3;
	s6 =	simm.s32 @!p1 $0x1082;
	[sflag:s4] =	ssyncset.s32 $0xFFFFF086  }
0x25: {  	[simem:s6], [sflag:s4] =	dma.local [hbm:s3], $0xF7A  }
0x26: {  	[smem:$0x3F9F] =	sst s1;
	(tag) =	ssettag s2;
	_ =	strace s9  }
0x27: {  	s1 =	sld [smem:$0x3FAF]  }
0x28: {  	s2 =	sld [smem:$0x3FB0]  }
0x29: {  	s4 =	sld [smem:$0x3FB2]  }
0x2a: {  	p0 =	seq.s32 s5, $0x0;
	s5 =	sld [smem:$0x3FB3]  }
0x2b: {  	s6 =	sld [smem:$0x3FB4]  }
0x2c: {  	s7 =	sld [smem:$0x3FB5]  }
0x2d: {  	s3 =	simm.s32 $0x108;
	s8 =	sld [smem:$0x3FB6]  }
0x2e: {  	s3 =	simm.s32 @!p0 $0x1082;
	s9 =	sld [smem:$0x3FB7]  }
0x2f: {  	lr =	sadd.s32 s0, s3;
	s0 =	sld [smem:$0x3FAE]  }
0x30: {  	s3 =	sld [smem:$0x3FB1]  }
0x31: {  	[smem:$0x3FBA] =	sst s10  }
0x32: {  	s10 =	sld [smem:$0x3FB8];
	_ =	sdelay $0x3  }
0x33: {  	p0 =	seq.s32 s10, $0x1;
	s10 =	sld [smem:$0x3FBA];
	_ =	sdelay $0x3  }
0x34: {  	[smem:$0x3FBA] =	sst s10  }
0x35: {  	s10 =	sld [smem:$0x3FB9];
	_ =	sdelay $0x3  }
0x36: {  	p1 =	seq.s32 s10, $0x1;
	s10 =	sld [smem:$0x3FBA];
	_ =	sdelay $0x3  }
0x37: {  	[smem:$0x3FBA] =	sst s10  }
0x38: {  	s10 =	sld [smem:$0x3FBB]  }
0x39: {  	_ = 	snop;
	(pc) =	sbr.ind lr, $3  }
0x3a: {  	_ = 	snop  }
0x3b: {  	_ = 	snop  }
0x3c: {  	p2 =	seq.s32 s10, $0x1;
	s10 =	sld [smem:$0x3FBA]  }
0x3d: {  	_ =	shalt  }
0x3e: {  	_ =	shalt  }
0x3f: {  	_ =	shalt  }
0x40: {  	_ =	shalt  }
0x41: {  	_ =	shalt  }
0x42: {  	_ =	shalt  }
0x43: {  	_ =	shalt  }
0x44: {  	_ =	shalt  }
0x45: {  	_ =	shalt  }
0x46: {  	_ =	shalt  }
0x47: {  	_ =	shalt  }
0x48: {  	_ =	shalt  }
0x49: {  	_ =	shalt  }
0x4a: {  	_ =	shalt  }
0x4b: {  	_ =	shalt  }
0x4c: {  	_ =	shalt  }
0x4d: {  	_ =	shalt  }
0x4e: {  	_ =	shalt  }
0x4f: {  	_ =	shalt  }
0x50: {  	_ =	shalt  }
0x51: {  	_ =	shalt  }
0x52: {  	_ =	shalt  }
0x53: {  	_ =	shalt  }
0x54: {  	_ =	shalt  }
0x55: {  	_ =	shalt  }
0x56: {  	_ =	shalt  }
0x57: {  	_ =	shalt  }
0x58: {  	_ =	shalt  }
0x59: {  	_ =	shalt  }
0x5a: {  	_ =	shalt  }
0x5b: {  	_ =	shalt  }
0x5c: {  	_ =	shalt  }
0x5d: {  	_ =	shalt  }
0x5e: {  	_ =	shalt  }
0x5f: {  	_ =	shalt  }
0x60: {  	_ =	shalt  }
0x61: {  	_ =	shalt  }
0x62: {  	_ =	shalt  }
0x63: {  	_ =	shalt  }
0x64: {  	_ =	shalt  }
0x65: {  	_ =	shalt  }
0x66: {  	_ =	shalt  }
0x67: {  	_ =	shalt  }
0x68: {  	_ =	shalt  }
0x69: {  	_ =	shalt  }
0x6a: {  	_ =	shalt  }
0x6b: {  	_ =	shalt  }
0x6c: {  	_ =	shalt  }
0x6d: {  	_ =	shalt  }
0x6e: {  	_ =	shalt  }
0x6f: {  	_ =	shalt  }
0x70: {  	_ =	shalt  }
0x71: {  	_ =	shalt  }
0x72: {  	_ =	shalt  }
0x73: {  	_ =	shalt  }
0x74: {  	_ =	shalt  }
0x75: {  	_ =	shalt  }
0x76: {  	_ =	shalt  }
0x77: {  	_ =	shalt  }
0x78: {  	_ =	shalt  }
0x79: {  	_ =	shalt  }
0x7a: {  	_ =	shalt  }
0x7b: {  	_ =	shalt  }
0x7c: {  	_ =	shalt  }
0x7d: {  	_ =	shalt  }
0x7e: {  	_ =	shalt  }
0x7f: {  	_ =	shalt  }
0x80: {  	_ =	shalt  }
0x81: {  	_ =	shalt  }
0x82: {  	_ =	shalt  }
0x83: {  	_ =	shalt  }
0x84: {  	_ =	shalt  }
0x85: {  	_ =	shalt  }
0x86: {  	_ =	shalt  }
0x87: {  	_ =	shalt  }
.Lfunc_end0:
.L_simem_size_0:
called_computation_lowered:
.L_overlay_start_0:
0x88: {  	s2 =	sld [smem:$0x3FD9]  }
0x89: {  	s3 =	sld [smem:$0x3FFE];
	_ =	sdelay $0x1  }
0x8a: {  	s1 =	srdreg.scid  }
0x8b: {  	s0 =	sand.u32 $0x1, s1  }
0x8c: {  	s17 =	sshll.u32 s0, $0xA;
	s2 =	sadd.s32 s3, s2  }
0x8d: {  	s2 =	sadd.s32 s2, s17  }
0x8e: {  	[smem:$0x3FC6] =	sst s2  }
0x8f: {  	_ = 	snop  }
0x90: {  	s2 =	sld [smem:$0x3FC8]  }
0x91: {  	s18 =	sld [smem:$0x3FD0];
	(tm) =	ssettm $0x1  }
0x92: {  	s4 =	sld [smem:$0x3FFB];
	_ =	sdelay $0x3  }
0x93: {  	_ =	strace s4  }
0x94: {  	s4 =	sld [smem:$0x3FFC];
	_ =	sdelay $0x3  }
0x95: {  	_ =	strace s4  }
0x96: {  	s4 =	sld [smem:$0x3FFD];
	_ =	sdelay $0x3  }
0x97: {  	_ =	strace s4  }
0x98: {  	_ =	strace $0x8FFFFFFF  }
0x99: {  	s19 =	sld [smem:$0x3FDB];
	_ =	sdelay $0x1  }
0x9a: {  	s5 =	simm.s32 $_scs_section_size  }
0x9b: {  	s6 =	simm.s32 $_size__tile_overlayer_lowered;
	s7 =	simm.s32 $_tile_overlayer_lowered  }
0x9c: {  	s22 =	simm.s32 $0x1BFF;
	s21 =	sshll.u32 s7, $0x1;
	s4 =	sadd.s32 s5, s19  }
0x9d: {  	s8 =	simm.s32 $0x0;
	s20 =	sshll.u32 s6, $0x1;
	s6 =	sadd.s32 s21, s4  }
0x9e: {  	[timem:s8], [sflag:s22] =	dma.local [hbm:s6], s20  }
0x9f: {  	_ =	swait.ge [sflag:s22], s20  }
0xa0: {  	s5 =	ssub.s32 $0x0, s20;
	[sflag:s22] =	ssyncset.done $0x0  }
0xa1: {  	[sflag:s22] =	ssyncadd.s32 s5;
	_ =	sdelay $0x1  }
0xa2: {  	s23 =	simm.s32 $0x1B8B  }
0xa3: {  	_ =	swait.ge [sflag:s23], $0x1  }
0xa4: {  	[sflag:s23] =	ssyncset.done $0x0  }
0xa5: {  	s25 =	simm.s32 $0x1B8E;
	s24 =	sld [smem:$0x3FFE];
	[sflag:s23] =	ssyncadd.s32 $0xFFFFFFFF  }
0xa6: {  	s26 =	simm.s32 $execute0_lowered;
	[smem:$0x3FD2] =	sst s25  }
0xa7: {  	s6 =	sshll.u32 s26, $0x1;
	_ =	strace $0x80000046;
	[dreg:$0x1] =	wrdreg $0xFFFFFFFF  }
0xa8: {  	s28 =	simm.s32 $_size_execute0_lowered;
	s4 =	sadd.s32 s4, s6;
	[dreg:$0x0] =	wrdreg $0x0  }
0xa9: {  	s6 =	sshll.u32 s28, $0x1;
	[dreg:$0x2] =	wrdreg s4  }
0xaa: {  	[dreg:$0x3] =	wrdreg s6  }
0xab: {  	[dreg:$0x4] =	wrdreg $0xC0  }
0xac: {  	_ =	task [dreg:s8], $0x5FFFF  }
0xad: {  	[dreg:$0x1] =	wrdreg $0xFFFFFFFF  }
0xae: {  	[dreg:$0x0] =	wrdreg $0x60  }
0xaf: {  	[dreg:$0x2] =	wrdreg s24  }
0xb0: {  	[dreg:$0x3] =	wrdreg s2  }
0xb1: {  	[dreg:$0x4] =	wrdreg s18  }
0xb2: {  	[dreg:$0x5] =	wrdreg $0x9  }
0xb3: {  	_ =	task.clear_ibuf [dreg:s8], $0x6FFFF;
	_ =	strace $0x90000046  }
0xb4: {  	s29 =	simm.s32 $0x9;
	_ =	strace $0x80000048  }
0xb5: {  	_ =	swait.ge [sflag:s29], $0x1  }
0xb6: {  	[sflag:s29] =	ssyncadd.s32 $0xFFFFFFFF  }
0xb7: {  	_ =	strace $0x90000048  }
0xb8: {  	_ =	sfence  }
0xb9: {  	s30 =	sld [smem:$0x0];
	_ =	sdelay $0x2  }
0xba: {  	s31 =	sshll.u32 s1, $0xD;
	s1 =	sshrl.u32 s1, $0x2  }
0xbb: {  	s3 =	sand.u32 $0x4000, s31;
	s1 =	sadd.s32 s1, s30  }
0xbc: {  	s0 =	sor.u32 s3, s0;
	s1 =	sshll.u32 s1, $0x11  }
0xbd: {  	s0 =	sor.u32 s1, s0  }
0xbe: {  	s0 =	sadd.s32 $0x8F2B, s0  }
0xbf: {  	[sflag:s0] =	ssyncadd.remote.s32 $0x1  }
0xc0: {  	_ =	sfence.sel $0xFFFF  }
0xc1: {  	[dreg:$0x0] =	wrdreg $0xFFFFFFFF;
	(pc) =	sbr.abs _section_cstart, $3  }
0xc2: {  	[dreg:$0x1] =	wrdreg $0xFFFFFFFF  }
0xc3: {  	_ =	task.clear_ibuf [dreg:s8], $0x2FFFF;
	_ =	strace $0x9FFFFFFF  }
0xc4: {  	(tm) =	ssettm $0x7FFFFFFF  }
0xc5: {  	_ =	shalt  }
tec
execute0_lowered:
.L_overlay_start_1:
0x0: {  	(tag) =	ssettag $0x1  }
0x1: {  	s0 =	rddreg [dreg:$0x0]  }
0x2: {  	s2 =	rddreg [dreg:$0x1]  }
0x3: {  	s4 =	rddreg [dreg:$0x2];
	s1 =	srdreg.scid  }
0x4: {  	s7 =	stileid.u32;
	s3 =	simm.s32 $0x0;
	s11 =	simm.s32 $0xB  }
0x5: {  	s12 =	simm.s32 $0x80;
	s13 =	simm.s32 $0x1C00;
	s14 =	simm.s32 $0x5C00  }
0x6: {  	s16 =	simm.s32 $0x9C00;
	s28 =	simm.s32 $0x9;
	s29 =	simm.s32 $0xA  }
0x7: {  	s30 =	simm.s32 $0x0;
	s1 =	sand.u32 $0x1, s1;
	s5 =	sshll.u32 s7, $0x1  }
0x8: {  	[smem:$0x7FF] =	sst s3;
	s7 =	sshll.u32 s7, $0xF;
	s5 =	sor.u32 s1, s5  }
0x9: {  	_ =	strace $0x80000047;
	s6 =	ssub.s32 $0x2, s1;
	s1 =	sshll.u32 s1, $0xE  }
0xa: {  	s5 =	smul.u32 $0x380, s5;
	s17 =	sshrl.u32 s6, $0x1;
	s1 =	sor.u32 s1, s7  }
0xb: {  	s18 =	sor.u32 $0x100000, s1;
	s7 =	sor.u32 $0x80000, s1;
	s22 =	sshrl.u32 s1, $0x3  }
0xc: {  	s23 =	sor.u32 $0x200000, s1;
	s24 =	sor.u32 $0x180000, s1;
	s0 =	sadd.s32 s5, s0  }
0xd: {  	s5 =	ssub.s32 s6, s17;
	s19 =	sshrl.u32 s18, $0x3;
	s20 =	sshrl.u32 s7, $0x3  }
0xe: {  	s25 =	sshrl.u32 s23, $0x3;
	s26 =	sshrl.u32 s24, $0x3;
	s17 =	simm.s32 $0x1  }
0xf: {  	s18 =	simm.s32 $0xDC00;
	s23 =	simm.s32 $0x5;
	s0 =	sadd.s32 $0x400, s0  }
0x10: {  	s24 =	simm.s32 $0x6;
	s5 =	smax.u32 s5, $0x1;
	[dreg:$0x4] =	wrdreg s0  }
0x11: {  	s21 =	sadd.s32 s20, s4;
	s31 =	sadd.s32 s26, s4;
	[dreg:$0x5] =	wrdreg s5  }
.Ltmp0:
0x12: {  	s20 =	simm.s32 $0x11C00;
	[dreg:$0x7] =	wrdreg s21;
	(pc) =	sbr.rel .LBB2_1-.Ltmp0, $4  }
0x13: {  	s26 =	simm.s32 $0x8;
	s0 =	sadd.s32 s19, s4;
	[dreg:$0xa] =	wrdreg s31  }
0x14: {  	s19 =	simm.s32 $0x2;
	[dreg:$0x6] =	wrdreg s0;
	s0 =	sadd.s32 s22, s4  }
0x15: {  	s21 =	simm.s32 $0x3;
	[dreg:$0x8] =	wrdreg s0;
	s0 =	sadd.s32 s25, s4  }
0x16: {  	s22 =	simm.s32 $0x4;
	s25 =	simm.s32 $0x7;
	[dreg:$0x9] =	wrdreg s0  }
.LBB2_4:
0x17: {  	_ =	swait.ge [sflag:s24], $0x4000  }
0x18: {  	[sflag:s24] =	ssyncset.done $0x0  }
0x19: {  	[sflag:s24] =	ssyncadd.s32 $0xFFFFC000  }
0x1a: {  	_ =	swait.ge [sflag:s25], $0x4000  }
0x1b: {  	[sflag:s25] =	ssyncset.done $0x0  }
0x1c: {  	[sflag:s25] =	ssyncadd.s32 $0xFFFFC000  }
0x1d: {  	_ =	swait.ge [sflag:s26], $0x4000  }
0x1e: {  	[sflag:s26] =	ssyncset.done $0x0  }
0x1f: {  	[sflag:s26] =	ssyncadd.s32 $0xFFFFC000  }
0x20: {  	_ =	swait.ge [sflag:s28], $0x4000  }
0x21: {  	[sflag:s28] =	ssyncset.done $0x0  }
0x22: {  	[sflag:s28] =	ssyncadd.s32 $0xFFFFC000  }
0x23: {  	_ =	swait.ge [sflag:s29], $0x4000  }
0x24: {  	s30 =	sadd.s32 $0x1, s30;
	s0 =	rddreg [dreg:$0x5]  }
0x25: {  	p0 =	sne.s32 s30, s0  }
.Ltmp1:
0x26: {  	_ = 	snop;
	(pc) =	sbr.rel @!p0 .LBB2_5-.Ltmp1, $3  }
0x27: {  	_ =	sdelay $0x1  }
0x28: {  	[sflag:s29] =	ssyncset.done $0x0  }
0x29: {  	[sflag:s29] =	ssyncadd.s32 $0xFFFFC000  }
.LBB2_1:
0x2a: {  	s0 =	rddreg [dreg:$0x4]  }
0x2b: {  	[tilespmem:s3], [sflag:$0xB] =	stream.linear.gather [hbm4b:s0+s3], $0x1900, $0x38;
	[tilespmem:$0x15C00] =	vst v63  }
0x2c: {  	_ =	swait.ge [sflag:s11], $0x1900  }
0x2d: {  	s31 =	rddreg [dreg:$0xa]  }
0x2e: {  	[sflag:s11] =	ssyncset.done $0x0;
	s9 =	rddreg [dreg:$0x9]  }
0x2f: {  	s8 =	rddreg [dreg:$0x8];
	[sflag:s11] =	ssyncadd.s32 $0xFFFFE700  }
0x30: {  	[tilespmem:s13], [sflag:$0x1] =	stream.indirect.gather [hbm4b:s2+s12], $0x80, s3, s12, $0xb8;
	[tilespmem:$0x15C00] =	vst v63  }
0x31: {  	s7 =	rddreg [dreg:$0x7]  }
0x32: {  	[tilespmem:s14], [sflag:$0x2] =	stream.indirect.gather [hbm4b:s2+s12], $0x80, s12, s12, $0xb8;
	[tilespmem:$0x15C00] =	vst v63  }
0x33: {  	s15 =	simm.s32 $0x100;
	s5 =	simm.s32 $0x0;
	s6 =	rddreg [dreg:$0x6]  }
0x34: {  	[tilespmem:s16], [sflag:$0x3] =	stream.indirect.gather [hbm4b:s2+s12], $0x80, s15, s12, $0xb8;
	[tilespmem:$0x15C00] =	vst v63  }
.LBB2_2:
0x35: {  	_ =	swait.ge [sflag:s17], $0x4000  }
0x36: {  	p0 =	seq.s32 s5, $0x0;
	[sflag:s17] =	ssyncset.done $0x0  }
0x37: {  	s15 =	simm.s32 @!p0 $0x9;
	[sflag:s17] =	ssyncadd.s32 $0xFFFFC000  }
0x38: {  	[hbm4b:s8+s3] =	stream.linear.scatter [tilespmem:s13], [sflag:$0x6], $0x4000, $0x38;
	[tilespmem:$0x15C00] =	vst v63  }
0x39: {  	_ =	swait.ge @!p0 [sflag:s15], $0x4000  }
0x3a: {  	s4 =	sshra.s32 s5, $0x2;
	[sflag:s15] =	ssyncset.done @!p0 $0x0  }
0x3b: {  	s1 =	sadd.s32 $0x180, s4;
	[sflag:s15] =	ssyncadd.s32 @!p0 $0xFFFFC000  }
0x3c: {  	[tilespmem:s18], [sflag:$0x4] =	stream.indirect.gather [hbm4b:s2+s12], $0x80, s1, s12, $0xb8;
	[tilespmem:$0x15C00] =	vst v63  }
0x3d: {  	_ =	swait.ge [sflag:s19], $0x4000  }
0x3e: {  	[sflag:s19] =	ssyncset.done $0x0  }
0x3f: {  	s15 =	simm.s32 @!p0 $0xA;
	[sflag:s19] =	ssyncadd.s32 $0xFFFFC000  }
0x40: {  	[hbm4b:s7+s3] =	stream.linear.scatter [tilespmem:s14], [sflag:$0x7], $0x4000, $0x38;
	[tilespmem:$0x15C00] =	vst v63  }
0x41: {  	_ =	swait.ge @!p0 [sflag:s15], $0x4000  }
0x42: {  	[sflag:s15] =	ssyncset.done @!p0 $0x0  }
0x43: {  	s10 =	sadd.s32 $0x200, s4;
	[sflag:s15] =	ssyncadd.s32 @!p0 $0xFFFFC000  }
0x44: {  	[tilespmem:s20], [sflag:$0x5] =	stream.indirect.gather [hbm4b:s2+s12], $0x80, s10, s12, $0xb8;
	[tilespmem:$0x15C00] =	vst v63  }
0x45: {  	_ =	swait.ge [sflag:s21], $0x4000  }
0x46: {  	p0 =	seq.s32 s5, $0x5A00;
	[sflag:s21] =	ssyncset.done $0x0  }
0x47: {  	s15 =	simm.s32 @!p0 $0x6;
	[sflag:s21] =	ssyncadd.s32 $0xFFFFC000  }
0x48: {  	[hbm4b:s6+s3] =	stream.linear.scatter [tilespmem:s16], [sflag:$0x8], $0x4000, $0x38;
	[tilespmem:$0x15C00] =	vst v63  }
0x49: {  	_ =	swait.ge @!p0 [sflag:s15], $0x4000  }
0x4a: {  	[sflag:s15] =	ssyncset.done @!p0 $0x0  }
0x4b: {  	[sflag:s15] =	ssyncadd.s32 @!p0 $0xFFFFC000;
	s15 =	sshra.s32 @!p0 s5, $0x2  }
0x4c: {  	s0 =	simm.s32 @!p0 $0x80;
	s10 =	simm.s32 @!p0 $0x1C00;
	s1 =	sadd.s32 @!p0 $0x280, s15  }
0x4d: {  	[tilespmem:s10], [sflag:$0x1] =	stream.indirect.gather @!p0 [hbm4b:s2+s0], $0x80, s1, s0, $0xb8;
	[tilespmem:$0x15C00] =	vst v63  }
0x4e: {  	_ =	swait.ge [sflag:s22], $0x4000  }
0x4f: {  	[sflag:s22] =	ssyncset.done $0x0  }
0x50: {  	s1 =	simm.s32 @!p0 $0x7;
	[sflag:s22] =	ssyncadd.s32 $0xFFFFC000  }
0x51: {  	[hbm4b:s31+s3] =	stream.linear.scatter [tilespmem:s18], [sflag:$0x9], $0x4000, $0x38;
	[tilespmem:$0x15C00] =	vst v63  }
0x52: {  	_ =	swait.ge @!p0 [sflag:s1], $0x4000  }
0x53: {  	[sflag:s1] =	ssyncset.done @!p0 $0x0  }
0x54: {  	s10 =	simm.s32 @!p0 $0x5C00;
	[sflag:s1] =	ssyncadd.s32 @!p0 $0xFFFFC000;
	s1 =	sadd.s32 @!p0 $0x300, s15  }
0x55: {  	[tilespmem:s10], [sflag:$0x2] =	stream.indirect.gather @!p0 [hbm4b:s2+s0], $0x80, s1, s0, $0xb8;
	[tilespmem:$0x15C00] =	vst v63  }
.Ltmp2:
0x56: {  	_ = 	snop;
	(pc) =	sbr.rel @p0 .LBB2_4-.Ltmp2, $4  }
0x57: {  	_ =	swait.ge [sflag:s23], $0x4000  }
0x58: {  	[sflag:s23] =	ssyncset.done $0x0  }
0x59: {  	[sflag:s23] =	ssyncadd.s32 $0xFFFFC000  }
0x5a: {  	[hbm4b:s9+s3] =	stream.linear.scatter [tilespmem:s20], [sflag:$0xA], $0x4000, $0x38;
	[tilespmem:$0x15C00] =	vst v63  }
.Ltmp3:
0x5b: {  	_ =	swait.ge [sflag:s26], $0x4000;
	(pc) =	sbr.rel .LBB2_2-.Ltmp3, $4  }
0x5c: {  	s0 =	sadd.s32 $0x380, s4;
	s5 =	sadd.s32 $0xA00, s5;
	s6 =	sadd.s32 $0x50000, s6  }
0x5d: {  	s7 =	sadd.s32 $0x50000, s7;
	s8 =	sadd.s32 $0x50000, s8;
	[sflag:s26] =	ssyncset.done $0x0  }
0x5e: {  	s9 =	sadd.s32 $0x50000, s9;
	s31 =	sadd.s32 $0x50000, s31;
	[sflag:s26] =	ssyncadd.s32 $0xFFFFC000  }
0x5f: {  	[tilespmem:s16], [sflag:$0x3] =	stream.indirect.gather [hbm4b:s2+s12], $0x80, s0, s12, $0xb8;
	[tilespmem:$0x15C00] =	vst v63  }
.LBB2_5:
0x60: {  	_ =	sfence.sel $0x180000  }
0x61: {  	[bflag:$0x0] =	sbarrier.arrive $0xFFFF  }
0x62: {  	_ =	strace $0x90000047  }
0x63: {  	s0 =	stileid.u32;
	[bflag:$0x2] =	sbarrier.arrive $0xFFFF  }
0x64: {  	p0 =	sne.s32 s0, $0x0;
	s0 =	rddreg [dreg:$0x3]  }
0x65: {  	s0 =	sadd.s32 @!p0 $0x100000, s0  }
0x66: {  	[sflag:s0] =	ssyncadd.tile.s32 @!p0 $0x1;
	_ =	shalt  }
.Lfunc_end2:
_tile_overlayer_lowered:
.L_overlay_start_2:
0x67: {  	(tag) =	ssettag $0x2  }
0x68: {  	s0 =	rddreg [dreg:$0x0];
	s2 =	stileid.u32  }
0x69: {  	s1 =	rddreg [dreg:$0x1];
	p0 =	sne.s32 s2, $0x0  }
0x6a: {  	s3 =	rddreg [dreg:$0x2];
	[bflag:$0x3] =	sbarrier.arrive $0xFFFF;
	s2 =	simm.s32 @!p0 $0x1C0B  }
0x6b: {  	[timem:s3], [sflag:s2] =	dma.local @!p0 [hbm:s0], s1  }
0x6c: {  	s0 =	simm.s32 @!p0 $0xB  }
0x6d: {  	_ =	swait.ge @!p0 [sflag:s0], s1  }
0x6e: {  	s1 =	ssub.s32 @!p0 $0x0, s1;
	[sflag:s0] =	ssyncset.done @!p0 $0x0  }
0x6f: {  	[sflag:s0] =	ssyncadd.s32 @!p0 s1  }
0x70: {  	[bflag:$0x3] =	sbarrier.arrive $0xFFFF  }
0x71: {  	_ =	shalt  }

</sc_bundles>
